<compile_context>
chip_gen: v7x
topology: tpu7x:2x2x1
jax: 0.10.2.dev20260603
libtpu: 0.0.44.dev20260713+nightly
codegen_flags: <defaults>
</compile_context>

<pallas_src>
import functools

import jax
import jax.numpy as jnp
from jax import lax
from jax.experimental import pallas as pl
from jax.experimental.pallas import tpu as pltpu
from jax.experimental.pallas import tpu_sc as plsc

_VOCAB = 100000
_D = 128
_B = 4096
_N = 200
_TOT = _B * _N

_NC = 2
_NS = 16
_NW = _NC * _NS
_PER_W = _TOT // _NW
_CHUNK = 128
_NCH = _PER_W // _CHUNK

_NBUF = 5
_LOOK = 3

_mesh = plsc.VectorSubcoreMesh(core_axis_name="c", subcore_axis_name="s")


@functools.partial(
    pl.kernel,
    mesh=_mesh,
    out_type=jax.ShapeDtypeStruct((_NW, _PER_W, _D), jnp.float32),
    scratch_types=[
        pltpu.VMEM((_NCH, _CHUNK), jnp.int32),
        pltpu.VMEM((_NBUF, _CHUNK, _D), jnp.float32),
        pltpu.SemaphoreType.DMA((_NBUF,)),
        pltpu.SemaphoreType.DMA((_NBUF,)),
    ],
)
def _emb_gather(ids_hbm, w_hbm, out_hbm, idx_v, rows_v, gsem, wsem):
    wid = lax.axis_index("s") * _NC + lax.axis_index("c")
    pltpu.sync_copy(ids_hbm.at[wid], idx_v)

    def issue_gather(j, b):
        pltpu.async_copy(w_hbm.at[idx_v.at[j]], rows_v.at[b], gsem.at[b])

    def wait_gather(b):
        pltpu.make_async_copy(
            w_hbm.at[idx_v.at[0]], rows_v.at[b], gsem.at[b]
        ).wait()

    def issue_write(j, b):
        pltpu.async_copy(
            rows_v.at[b], out_hbm.at[wid, pl.ds(j * _CHUNK, _CHUNK)],
            wsem.at[b],
        )

    def wait_write(b):
        pltpu.make_async_copy(
            rows_v.at[b], out_hbm.at[wid, pl.ds(0, _CHUNK)], wsem.at[b]
        ).wait()

    for c in range(_LOOK):
        issue_gather(c, c)

    for b in range(_NBUF):
        wait_gather(b)
        issue_write(b, b)
        if b >= _NBUF - _LOOK:
            wait_write((b + _LOOK) % _NBUF)
        issue_gather(b + _LOOK, (b + _LOOK) % _NBUF)

    def outer(i, _):
        for b in range(_NBUF):
            j = i * _NBUF + b
            wait_gather(b)
            issue_write(j, b)
            wait_write((b + _LOOK) % _NBUF)
            issue_gather(j + _LOOK, (b + _LOOK) % _NBUF)
        return 0

    lax.fori_loop(1, _NCH // _NBUF - 1, outer, 0)

    for b in range(_NBUF):
        j = _NCH - _NBUF + b
        wait_gather(b)
        issue_write(j, b)
        wait_write((b + _LOOK) % _NBUF)
        if j + _LOOK < _NCH:
            issue_gather(j + _LOOK, (b + _LOOK) % _NBUF)

    for b in range(_NBUF - _LOOK):
        wait_write((_NCH - 1 + _LOOK + 1 + b) % _NBUF)


def kernel(ids, weight):
    idx3 = ids.astype(jnp.int32).reshape(_NW, _NCH, _CHUNK)
    out = _emb_gather(idx3, weight)
    return out.reshape(_B, _N, _D)

# --- scband reference (transcript-rebuilt; emitter-appended) ---
"""Pipeline reference for scband-token-embedding-27633819582593 (READ-ONLY COPY).

The authoritative reference and input builder live on the scoring server;
editing this copy changes nothing except your own understanding.
"""

import jax, jax.numpy as jnp
import numpy as np
import math

VOCAB_SIZE = 100000
D = 128
B = 4096
N = 200

def setup_inputs(seed: int = 0) -> dict:
    key = jax.random.key(seed)
    k_ids, k_w = jax.random.split(key)
    ids = jax.random.randint(k_ids, (B, N), 0, VOCAB_SIZE, dtype=jnp.int64 if jax.config.jax_enable_x64 else jnp.int32)
    std = 0.02 / math.sqrt(D)
    weight = jax.random.normal(k_w, (VOCAB_SIZE, D), dtype=jnp.float32) * std
    return {"ids": ids, "weight": weight}

def reference(ids, weight):
    ids = jnp.clip(ids, 0, VOCAB_SIZE - 1)
    embeddings = jnp.take(weight, ids, axis=0)
    # dropout with p=0.0 is identity (eval-mode equivalent)
    return embeddings

if __name__ == "__main__":
    import jax
    _d = setup_inputs()
    print(jax.jit(kernel)(*tuple(_d.values())))

</pallas_src>

<mosaic_0001>
#map = affine_map<(d0, d1) -> (0, 0, 0)>
#map1 = affine_map<(d0, d1) -> (0, 0)>
module attributes {stable_mosaic.version = 14 : i64} {
  func.func @_emb_gather(%arg0: i32, %arg1: i32, %arg2: memref<32x200x128xi32, #tpu.memory_space<hbm>>, %arg3: memref<100000x128xf32, #tpu.memory_space<hbm>>, %arg4: memref<32x25600x128xf32, #tpu.memory_space<hbm>>, %arg5: memref<200x128xi32, #tpu.memory_space<vmem>>, %arg6: memref<5x128x128xf32, #tpu.memory_space<vmem>>, %arg7: memref<5x!tpu.dma_semaphore, #tpu.memory_space<semaphore_mem>>, %arg8: memref<5x!tpu.dma_semaphore, #tpu.memory_space<semaphore_mem>>) attributes {dimension_semantics = [#tpu.dimension_semantics<core_parallel>, #tpu.dimension_semantics<subcore_parallel>], iteration_bounds = array<i64: 2, 16>, scalar_prefetch = 0 : i64, scratch_operands = 4 : i64, tpu.core_type = #tpu.core_type<sc_vector_subcore>, window_params = [{transform_indices = #map}, {transform_indices = #map1}, {transform_indices = #map}]} {
    %mul3A = arith.constant 2 : i32
    %mul3A_0 = arith.muli %arg1, %mul3A : i32
    %add3A = arith.addi %mul3A_0, %arg0 : i32
    "tpu.region"() ({
      %run_scoped3A = tpu.sem_alloc : memref<!tpu.dma_semaphore, #tpu.memory_space<semaphore_mem>>
      %dma_start3A_705 = arith.constant 0 : i32
      %dma_start3A_706 = arith.constant 0 : i32
      %dma_start3A_707 = tpu.memref_slice %arg2[%add3A, %dma_start3A_705, %dma_start3A_706] : memref<32x200x128xi32, #tpu.memory_space<hbm>> -> memref<1x200x128xi32, #tpu.memory_space<hbm>>
      %dma_start3A_708 = tpu.memref_squeeze %dma_start3A_707 : memref<1x200x128xi32, #tpu.memory_space<hbm>> -> memref<200x128xi32, #tpu.memory_space<hbm>>
      %dma_start3A_709 = arith.constant 0 : i32
      %dma_start3A_710 = arith.constant 0 : i32
      %dma_start3A_711 = tpu.memref_slice %arg2[%add3A, %dma_start3A_709, %dma_start3A_710] : memref<32x200x128xi32, #tpu.memory_space<hbm>> -> memref<1x200x128xi32, #tpu.memory_space<hbm>>
      %dma_start3A_712 = tpu.memref_squeeze %dma_start3A_711 : memref<1x200x128xi32, #tpu.memory_space<hbm>> -> memref<200x128xi32, #tpu.memory_space<hbm>>
      tpu.enqueue_dma source(%dma_start3A_712 : memref<200x128xi32, #tpu.memory_space<hbm>>) target(%arg5 : memref<200x128xi32, #tpu.memory_space<vmem>>) target_semaphore(%run_scoped3A : memref<!tpu.dma_semaphore, #tpu.memory_space<semaphore_mem>>)
      %dma_wait3A_713 = arith.constant 0 : i32
      %dma_wait3A_714 = arith.constant 0 : i32
      %dma_wait3A_715 = tpu.memref_slice %arg2[%add3A, %dma_wait3A_713, %dma_wait3A_714] : memref<32x200x128xi32, #tpu.memory_space<hbm>> -> memref<1x200x128xi32, #tpu.memory_space<hbm>>
      %dma_wait3A_716 = tpu.memref_squeeze %dma_wait3A_715 : memref<1x200x128xi32, #tpu.memory_space<hbm>> -> memref<200x128xi32, #tpu.memory_space<hbm>>
      %dma_wait3A_717 = arith.constant 0 : i32
      %dma_wait3A_718 = arith.constant 0 : i32
      %dma_wait3A_719 = tpu.memref_slice %arg2[%add3A, %dma_wait3A_717, %dma_wait3A_718] : memref<32x200x128xi32, #tpu.memory_space<hbm>> -> memref<1x200x128xi32, #tpu.memory_space<hbm>>
      %dma_wait3A_720 = tpu.memref_squeeze %dma_wait3A_719 : memref<1x200x128xi32, #tpu.memory_space<hbm>> -> memref<200x128xi32, #tpu.memory_space<hbm>>
      tpu.wait_dma2 semaphore(%run_scoped3A : memref<!tpu.dma_semaphore, #tpu.memory_space<semaphore_mem>>) src(%dma_wait3A_720 : memref<200x128xi32, #tpu.memory_space<hbm>>) dst(%arg5 : memref<200x128xi32, #tpu.memory_space<vmem>>)
      tpu.yield
    }) : () -> ()
    %dma_start3A = arith.constant 0 : i32
    %dma_start3A_1 = arith.constant 0 : i32
    %dma_start3A_2 = arith.constant 0 : i32
    %dma_start3A_3 = arith.constant 0 : i32
    %dma_start3A_4 = arith.constant 0 : i32
    %dma_start3A_5 = tpu.memref_slice %arg6[%dma_start3A_1, %dma_start3A_3, %dma_start3A_4] : memref<5x128x128xf32, #tpu.memory_space<vmem>> -> memref<1x128x128xf32, #tpu.memory_space<vmem>>
    %dma_start3A_6 = tpu.memref_squeeze %dma_start3A_5 : memref<1x128x128xf32, #tpu.memory_space<vmem>> -> memref<128x128xf32, #tpu.memory_space<vmem>>
    %dma_start3A_7 = arith.constant 0 : i32
    %dma_start3A_8 = tpu.memref_slice %arg5[%dma_start3A, %dma_start3A_7] : memref<200x128xi32, #tpu.memory_space<vmem>> -> memref<1x128xi32, #tpu.memory_space<vmem>>
    %dma_start3A_9 = tpu.memref_squeeze %dma_start3A_8 : memref<1x128xi32, #tpu.memory_space<vmem>> -> memref<128xi32, #tpu.memory_space<vmem>>
    %dma_start3A_10 = arith.constant 0 : i32
    %dma_start3A_11 = arith.constant 0 : i32
    %dma_start3A_12 = tpu.memref_slice %arg3[%dma_start3A_10, %dma_start3A_11] : memref<100000x128xf32, #tpu.memory_space<hbm>> -> memref<100000x128xf32, #tpu.memory_space<hbm>>
    %dma_start3A_13 = tpu.memref_slice %arg7[%dma_start3A_2] : memref<5x!tpu.dma_semaphore, #tpu.memory_space<semaphore_mem>> -> memref<1x!tpu.dma_semaphore, #tpu.memory_space<semaphore_mem>>
    %dma_start3A_14 = tpu.memref_squeeze %dma_start3A_13 : memref<1x!tpu.dma_semaphore, #tpu.memory_space<semaphore_mem>> -> memref<!tpu.dma_semaphore, #tpu.memory_space<semaphore_mem>>
    tpu.enqueue_indirect_dma source(%dma_start3A_12 : memref<100000x128xf32, #tpu.memory_space<hbm>>) target(%dma_start3A_6 : memref<128x128xf32, #tpu.memory_space<vmem>>) offsets(%dma_start3A_9 : memref<128xi32, #tpu.memory_space<vmem>>) semaphore(%dma_start3A_14 : memref<!tpu.dma_semaphore, #tpu.memory_space<semaphore_mem>>)
    %dma_start3A_15 = arith.constant 1 : i32
    %dma_start3A_16 = arith.constant 1 : i32
    %dma_start3A_17 = arith.constant 1 : i32
    %dma_start3A_18 = arith.constant 0 : i32
    %dma_start3A_19 = arith.constant 0 : i32
    %dma_start3A_20 = tpu.memref_slice %arg6[%dma_start3A_16, %dma_start3A_18, %dma_start3A_19] : memref<5x128x128xf32, #tpu.memory_space<vmem>> -> memref<1x128x128xf32, #tpu.memory_space<vmem>>
    %dma_start3A_21 = tpu.memref_squeeze %dma_start3A_20 : memref<1x128x128xf32, #tpu.memory_space<vmem>> -> memref<128x128xf32, #tpu.memory_space<vmem>>
    %dma_start3A_22 = arith.constant 0 : i32
    %dma_start3A_23 = tpu.memref_slice %arg5[%dma_start3A_15, %dma_start3A_22] : memref<200x128xi32, #tpu.memory_space<vmem>> -> memref<1x128xi32, #tpu.memory_space<vmem>>
    %dma_start3A_24 = tpu.memref_squeeze %dma_start3A_23 : memref<1x128xi32, #tpu.memory_space<vmem>> -> memref<128xi32, #tpu.memory_space<vmem>>
    %dma_start3A_25 = arith.constant 0 : i32
    %dma_start3A_26 = arith.constant 0 : i32
    %dma_start3A_27 = tpu.memref_slice %arg3[%dma_start3A_25, %dma_start3A_26] : memref<100000x128xf32, #tpu.memory_space<hbm>> -> memref<100000x128xf32, #tpu.memory_space<hbm>>
    %dma_start3A_28 = tpu.memref_slice %arg7[%dma_start3A_17] : memref<5x!tpu.dma_semaphore, #tpu.memory_space<semaphore_mem>> -> memref<1x!tpu.dma_semaphore, #tpu.memory_space<semaphore_mem>>
    %dma_start3A_29 = tpu.memref_squeeze %dma_start3A_28 : memref<1x!tpu.dma_semaphore, #tpu.memory_space<semaphore_mem>> -> memref<!tpu.dma_semaphore, #tpu.memory_space<semaphore_mem>>
    tpu.enqueue_indirect_dma source(%dma_start3A_27 : memref<100000x128xf32, #tpu.memory_space<hbm>>) target(%dma_start3A_21 : memref<128x128xf32, #tpu.memory_space<vmem>>) offsets(%dma_start3A_24 : memref<128xi32, #tpu.memory_space<vmem>>) semaphore(%dma_start3A_29 : memref<!tpu.dma_semaphore, #tpu.memory_space<semaphore_mem>>)
    %dma_start3A_30 = arith.constant 2 : i32
    %dma_start3A_31 = arith.constant 2 : i32
    %dma_start3A_32 = arith.constant 2 : i32
    %dma_start3A_33 = arith.constant 0 : i32
    %dma_start3A_34 = arith.constant 0 : i32
    %dma_start3A_35 = tpu.memref_slice %arg6[%dma_start3A_31, %dma_start3A_33, %dma_start3A_34] : memref<5x128x128xf32, #tpu.memory_space<vmem>> -> memref<1x128x128xf32, #tpu.memory_space<vmem>>
    %dma_start3A_36 = tpu.memref_squeeze %dma_start3A_35 : memref<1x128x128xf32, #tpu.memory_space<vmem>> -> memref<128x128xf32, #tpu.memory_space<vmem>>
    %dma_start3A_37 = arith.constant 0 : i32
    %dma_start3A_38 = tpu.memref_slice %arg5[%dma_start3A_30, %dma_start3A_37] : memref<200x128xi32, #tpu.memory_space<vmem>> -> memref<1x128xi32, #tpu.memory_space<vmem>>
    %dma_start3A_39 = tpu.memref_squeeze %dma_start3A_38 : memref<1x128xi32, #tpu.memory_space<vmem>> -> memref<128xi32, #tpu.memory_space<vmem>>
    %dma_start3A_40 = arith.constant 0 : i32
    %dma_start3A_41 = arith.constant 0 : i32
    %dma_start3A_42 = tpu.memref_slice %arg3[%dma_start3A_40, %dma_start3A_41] : memref<100000x128xf32, #tpu.memory_space<hbm>> -> memref<100000x128xf32, #tpu.memory_space<hbm>>
    %dma_start3A_43 = tpu.memref_slice %arg7[%dma_start3A_32] : memref<5x!tpu.dma_semaphore, #tpu.memory_space<semaphore_mem>> -> memref<1x!tpu.dma_semaphore, #tpu.memory_space<semaphore_mem>>
    %dma_start3A_44 = tpu.memref_squeeze %dma_start3A_43 : memref<1x!tpu.dma_semaphore, #tpu.memory_space<semaphore_mem>> -> memref<!tpu.dma_semaphore, #tpu.memory_space<semaphore_mem>>
    tpu.enqueue_indirect_dma source(%dma_start3A_42 : memref<100000x128xf32, #tpu.memory_space<hbm>>) target(%dma_start3A_36 : memref<128x128xf32, #tpu.memory_space<vmem>>) offsets(%dma_start3A_39 : memref<128xi32, #tpu.memory_space<vmem>>) semaphore(%dma_start3A_44 : memref<!tpu.dma_semaphore, #tpu.memory_space<semaphore_mem>>)
    %dma_wait3A = arith.constant 0 : i32
    %dma_wait3A_45 = arith.constant 0 : i32
    %dma_wait3A_46 = arith.constant 0 : i32
    %dma_wait3A_47 = arith.constant 0 : i32
    %dma_wait3A_48 = arith.constant 0 : i32
    %dma_wait3A_49 = tpu.memref_slice %arg6[%dma_wait3A_45, %dma_wait3A_47, %dma_wait3A_48] : memref<5x128x128xf32, #tpu.memory_space<vmem>> -> memref<1x128x128xf32, #tpu.memory_space<vmem>>
    %dma_wait3A_50 = tpu.memref_squeeze %dma_wait3A_49 : memref<1x128x128xf32, #tpu.memory_space<vmem>> -> memref<128x128xf32, #tpu.memory_space<vmem>>
    %dma_wait3A_51 = arith.constant 0 : i32
    %dma_wait3A_52 = tpu.memref_slice %arg5[%dma_wait3A, %dma_wait3A_51] : memref<200x128xi32, #tpu.memory_space<vmem>> -> memref<1x128xi32, #tpu.memory_space<vmem>>
    %dma_wait3A_53 = tpu.memref_squeeze %dma_wait3A_52 : memref<1x128xi32, #tpu.memory_space<vmem>> -> memref<128xi32, #tpu.memory_space<vmem>>
    %dma_wait3A_54 = arith.constant 0 : i32
    %dma_wait3A_55 = arith.constant 0 : i32
    %dma_wait3A_56 = tpu.memref_slice %arg3[%dma_wait3A_54, %dma_wait3A_55] : memref<100000x128xf32, #tpu.memory_space<hbm>> -> memref<100000x128xf32, #tpu.memory_space<hbm>>
    %dma_wait3A_57 = tpu.memref_slice %arg7[%dma_wait3A_46] : memref<5x!tpu.dma_semaphore, #tpu.memory_space<semaphore_mem>> -> memref<1x!tpu.dma_semaphore, #tpu.memory_space<semaphore_mem>>
    %dma_wait3A_58 = tpu.memref_squeeze %dma_wait3A_57 : memref<1x!tpu.dma_semaphore, #tpu.memory_space<semaphore_mem>> -> memref<!tpu.dma_semaphore, #tpu.memory_space<semaphore_mem>>
    tpu.wait_indirect_dma semaphore(%dma_wait3A_58 : memref<!tpu.dma_semaphore, #tpu.memory_space<semaphore_mem>>) src(%dma_wait3A_56 : memref<100000x128xf32, #tpu.memory_space<hbm>>) dst(%dma_wait3A_50 : memref<128x128xf32, #tpu.memory_space<vmem>>)
    %dma_start3A_59 = arith.constant 0 : i32
    %dma_start3A_60 = arith.constant 0 : i32
    %dma_start3A_61 = arith.constant 0 : i32
    %dma_start3A_62 = arith.constant 0 : i32
    %dma_start3A_63 = tpu.memref_slice %arg6[%dma_start3A_59, %dma_start3A_61, %dma_start3A_62] : memref<5x128x128xf32, #tpu.memory_space<vmem>> -> memref<1x128x128xf32, #tpu.memory_space<vmem>>
    %dma_start3A_64 = tpu.memref_squeeze %dma_start3A_63 : memref<1x128x128xf32, #tpu.memory_space<vmem>> -> memref<128x128xf32, #tpu.memory_space<vmem>>
    %dma_start3A_65 = arith.constant 0 : i32
    %dma_start3A_66 = arith.constant 0 : i32
    %dma_start3A_67 = tpu.memref_slice %arg4[%add3A, %dma_start3A_65, %dma_start3A_66] : memref<32x25600x128xf32, #tpu.memory_space<hbm>> -> memref<1x128x128xf32, #tpu.memory_space<hbm>>
    %dma_start3A_68 = tpu.memref_squeeze %dma_start3A_67 : memref<1x128x128xf32, #tpu.memory_space<hbm>> -> memref<128x128xf32, #tpu.memory_space<hbm>>
    %dma_start3A_69 = tpu.memref_slice %arg8[%dma_start3A_60] : memref<5x!tpu.dma_semaphore, #tpu.memory_space<semaphore_mem>> -> memref<1x!tpu.dma_semaphore, #tpu.memory_space<semaphore_mem>>
    %dma_start3A_70 = tpu.memref_squeeze %dma_start3A_69 : memref<1x!tpu.dma_semaphore, #tpu.memory_space<semaphore_mem>> -> memref<!tpu.dma_semaphore, #tpu.memory_space<semaphore_mem>>
    %dma_start3A_71 = arith.constant 0 : i32
    %dma_start3A_72 = arith.constant 0 : i32
    %dma_start3A_73 = tpu.memref_slice %arg4[%add3A, %dma_start3A_71, %dma_start3A_72] : memref<32x25600x128xf32, #tpu.memory_space<hbm>> -> memref<1x128x128xf32, #tpu.memory_space<hbm>>
    %dma_start3A_74 = tpu.memref_squeeze %dma_start3A_73 : memref<1x128x128xf32, #tpu.memory_space<hbm>> -> memref<128x128xf32, #tpu.memory_space<hbm>>
    %dma_start3A_75 = arith.constant 0 : i32
    %dma_start3A_76 = arith.constant 0 : i32
    %dma_start3A_77 = tpu.memref_slice %arg6[%dma_start3A_59, %dma_start3A_75, %dma_start3A_76] : memref<5x128x128xf32, #tpu.memory_space<vmem>> -> memref<1x128x128xf32, #tpu.memory_space<vmem>>
    %dma_start3A_78 = tpu.memref_squeeze %dma_start3A_77 : memref<1x128x128xf32, #tpu.memory_space<vmem>> -> memref<128x128xf32, #tpu.memory_space<vmem>>
    tpu.enqueue_dma source(%dma_start3A_78 : memref<128x128xf32, #tpu.memory_space<vmem>>) target(%dma_start3A_74 : memref<128x128xf32, #tpu.memory_space<hbm>>) target_semaphore(%dma_start3A_70 : memref<!tpu.dma_semaphore, #tpu.memory_space<semaphore_mem>>)
    %dma_start3A_79 = arith.constant 3 : i32
    %dma_start3A_80 = arith.constant 3 : i32
    %dma_start3A_81 = arith.constant 3 : i32
    %dma_start3A_82 = arith.constant 0 : i32
    %dma_start3A_83 = arith.constant 0 : i32
    %dma_start3A_84 = tpu.memref_slice %arg6[%dma_start3A_80, %dma_start3A_82, %dma_start3A_83] : memref<5x128x128xf32, #tpu.memory_space<vmem>> -> memref<1x128x128xf32, #tpu.memory_space<vmem>>
    %dma_start3A_85 = tpu.memref_squeeze %dma_start3A_84 : memref<1x128x128xf32, #tpu.memory_space<vmem>> -> memref<128x128xf32, #tpu.memory_space<vmem>>
    %dma_start3A_86 = arith.constant 0 : i32
    %dma_start3A_87 = tpu.memref_slice %arg5[%dma_start3A_79, %dma_start3A_86] : memref<200x128xi32, #tpu.memory_space<vmem>> -> memref<1x128xi32, #tpu.memory_space<vmem>>
    %dma_start3A_88 = tpu.memref_squeeze %dma_start3A_87 : memref<1x128xi32, #tpu.memory_space<vmem>> -> memref<128xi32, #tpu.memory_space<vmem>>
    %dma_start3A_89 = arith.constant 0 : i32
    %dma_start3A_90 = arith.constant 0 : i32
    %dma_start3A_91 = tpu.memref_slice %arg3[%dma_start3A_89, %dma_start3A_90] : memref<100000x128xf32, #tpu.memory_space<hbm>> -> memref<100000x128xf32, #tpu.memory_space<hbm>>
    %dma_start3A_92 = tpu.memref_slice %arg7[%dma_start3A_81] : memref<5x!tpu.dma_semaphore, #tpu.memory_space<semaphore_mem>> -> memref<1x!tpu.dma_semaphore, #tpu.memory_space<semaphore_mem>>
    %dma_start3A_93 = tpu.memref_squeeze %dma_start3A_92 : memref<1x!tpu.dma_semaphore, #tpu.memory_space<semaphore_mem>> -> memref<!tpu.dma_semaphore, #tpu.memory_space<semaphore_mem>>
    tpu.enqueue_indirect_dma source(%dma_start3A_91 : memref<100000x128xf32, #tpu.memory_space<hbm>>) target(%dma_start3A_85 : memref<128x128xf32, #tpu.memory_space<vmem>>) offsets(%dma_start3A_88 : memref<128xi32, #tpu.memory_space<vmem>>) semaphore(%dma_start3A_93 : memref<!tpu.dma_semaphore, #tpu.memory_space<semaphore_mem>>)
    %dma_wait3A_94 = arith.constant 0 : i32
    %dma_wait3A_95 = arith.constant 1 : i32
    %dma_wait3A_96 = arith.constant 1 : i32
    %dma_wait3A_97 = arith.constant 0 : i32
    %dma_wait3A_98 = arith.constant 0 : i32
    %dma_wait3A_99 = tpu.memref_slice %arg6[%dma_wait3A_95, %dma_wait3A_97, %dma_wait3A_98] : memref<5x128x128xf32, #tpu.memory_space<vmem>> -> memref<1x128x128xf32, #tpu.memory_space<vmem>>
    %dma_wait3A_100 = tpu.memref_squeeze %dma_wait3A_99 : memref<1x128x128xf32, #tpu.memory_space<vmem>> -> memref<128x128xf32, #tpu.memory_space<vmem>>
    %dma_wait3A_101 = arith.constant 0 : i32
    %dma_wait3A_102 = tpu.memref_slice %arg5[%dma_wait3A_94, %dma_wait3A_101] : memref<200x128xi32, #tpu.memory_space<vmem>> -> memref<1x128xi32, #tpu.memory_space<vmem>>
    %dma_wait3A_103 = tpu.memref_squeeze %dma_wait3A_102 : memref<1x128xi32, #tpu.memory_space<vmem>> -> memref<128xi32, #tpu.memory_space<vmem>>
    %dma_wait3A_104 = arith.constant 0 : i32
    %dma_wait3A_105 = arith.constant 0 : i32
    %dma_wait3A_106 = tpu.memref_slice %arg3[%dma_wait3A_104, %dma_wait3A_105] : memref<100000x128xf32, #tpu.memory_space<hbm>> -> memref<100000x128xf32, #tpu.memory_space<hbm>>
    %dma_wait3A_107 = tpu.memref_slice %arg7[%dma_wait3A_96] : memref<5x!tpu.dma_semaphore, #tpu.memory_space<semaphore_mem>> -> memref<1x!tpu.dma_semaphore, #tpu.memory_space<semaphore_mem>>
    %dma_wait3A_108 = tpu.memref_squeeze %dma_wait3A_107 : memref<1x!tpu.dma_semaphore, #tpu.memory_space<semaphore_mem>> -> memref<!tpu.dma_semaphore, #tpu.memory_space<semaphore_mem>>
    tpu.wait_indirect_dma semaphore(%dma_wait3A_108 : memref<!tpu.dma_semaphore, #tpu.memory_space<semaphore_mem>>) src(%dma_wait3A_106 : memref<100000x128xf32, #tpu.memory_space<hbm>>) dst(%dma_wait3A_100 : memref<128x128xf32, #tpu.memory_space<vmem>>)
    %dma_start3A_109 = arith.constant 1 : i32
    %dma_start3A_110 = arith.constant 1 : i32
    %dma_start3A_111 = arith.constant 0 : i32
    %dma_start3A_112 = arith.constant 0 : i32
    %dma_start3A_113 = tpu.memref_slice %arg6[%dma_start3A_109, %dma_start3A_111, %dma_start3A_112] : memref<5x128x128xf32, #tpu.memory_space<vmem>> -> memref<1x128x128xf32, #tpu.memory_space<vmem>>
    %dma_start3A_114 = tpu.memref_squeeze %dma_start3A_113 : memref<1x128x128xf32, #tpu.memory_space<vmem>> -> memref<128x128xf32, #tpu.memory_space<vmem>>
    %dma_start3A_115 = arith.constant 128 : i32
    %dma_start3A_116 = arith.constant 0 : i32
    %dma_start3A_117 = tpu.memref_slice %arg4[%add3A, %dma_start3A_115, %dma_start3A_116] : memref<32x25600x128xf32, #tpu.memory_space<hbm>> -> memref<1x128x128xf32, #tpu.memory_space<hbm>>
    %dma_start3A_118 = tpu.memref_squeeze %dma_start3A_117 : memref<1x128x128xf32, #tpu.memory_space<hbm>> -> memref<128x128xf32, #tpu.memory_space<hbm>>
    %dma_start3A_119 = tpu.memref_slice %arg8[%dma_start3A_110] : memref<5x!tpu.dma_semaphore, #tpu.memory_space<semaphore_mem>> -> memref<1x!tpu.dma_semaphore, #tpu.memory_space<semaphore_mem>>
    %dma_start3A_120 = tpu.memref_squeeze %dma_start3A_119 : memref<1x!tpu.dma_semaphore, #tpu.memory_space<semaphore_mem>> -> memref<!tpu.dma_semaphore, #tpu.memory_space<semaphore_mem>>
    %dma_start3A_121 = arith.constant 128 : i32
    %dma_start3A_122 = arith.constant 0 : i32
    %dma_start3A_123 = tpu.memref_slice %arg4[%add3A, %dma_start3A_121, %dma_start3A_122] : memref<32x25600x128xf32, #tpu.memory_space<hbm>> -> memref<1x128x128xf32, #tpu.memory_space<hbm>>
    %dma_start3A_124 = tpu.memref_squeeze %dma_start3A_123 : memref<1x128x128xf32, #tpu.memory_space<hbm>> -> memref<128x128xf32, #tpu.memory_space<hbm>>
    %dma_start3A_125 = arith.constant 0 : i32
    %dma_start3A_126 = arith.constant 0 : i32
    %dma_start3A_127 = tpu.memref_slice %arg6[%dma_start3A_109, %dma_start3A_125, %dma_start3A_126] : memref<5x128x128xf32, #tpu.memory_space<vmem>> -> memref<1x128x128xf32, #tpu.memory_space<vmem>>
    %dma_start3A_128 = tpu.memref_squeeze %dma_start3A_127 : memref<1x128x128xf32, #tpu.memory_space<vmem>> -> memref<128x128xf32, #tpu.memory_space<vmem>>
    tpu.enqueue_dma source(%dma_start3A_128 : memref<128x128xf32, #tpu.memory_space<vmem>>) target(%dma_start3A_124 : memref<128x128xf32, #tpu.memory_space<hbm>>) target_semaphore(%dma_start3A_120 : memref<!tpu.dma_semaphore, #tpu.memory_space<semaphore_mem>>)
    %dma_start3A_129 = arith.constant 4 : i32
    %dma_start3A_130 = arith.constant 4 : i32
    %dma_start3A_131 = arith.constant 4 : i32
    %dma_start3A_132 = arith.constant 0 : i32
    %dma_start3A_133 = arith.constant 0 : i32
    %dma_start3A_134 = tpu.memref_slice %arg6[%dma_start3A_130, %dma_start3A_132, %dma_start3A_133] : memref<5x128x128xf32, #tpu.memory_space<vmem>> -> memref<1x128x128xf32, #tpu.memory_space<vmem>>
    %dma_start3A_135 = tpu.memref_squeeze %dma_start3A_134 : memref<1x128x128xf32, #tpu.memory_space<vmem>> -> memref<128x128xf32, #tpu.memory_space<vmem>>
    %dma_start3A_136 = arith.constant 0 : i32
    %dma_start3A_137 = tpu.memref_slice %arg5[%dma_start3A_129, %dma_start3A_136] : memref<200x128xi32, #tpu.memory_space<vmem>> -> memref<1x128xi32, #tpu.memory_space<vmem>>
    %dma_start3A_138 = tpu.memref_squeeze %dma_start3A_137 : memref<1x128xi32, #tpu.memory_space<vmem>> -> memref<128xi32, #tpu.memory_space<vmem>>
    %dma_start3A_139 = arith.constant 0 : i32
    %dma_start3A_140 = arith.constant 0 : i32
    %dma_start3A_141 = tpu.memref_slice %arg3[%dma_start3A_139, %dma_start3A_140] : memref<100000x128xf32, #tpu.memory_space<hbm>> -> memref<100000x128xf32, #tpu.memory_space<hbm>>
    %dma_start3A_142 = tpu.memref_slice %arg7[%dma_start3A_131] : memref<5x!tpu.dma_semaphore, #tpu.memory_space<semaphore_mem>> -> memref<1x!tpu.dma_semaphore, #tpu.memory_space<semaphore_mem>>
    %dma_start3A_143 = tpu.memref_squeeze %dma_start3A_142 : memref<1x!tpu.dma_semaphore, #tpu.memory_space<semaphore_mem>> -> memref<!tpu.dma_semaphore, #tpu.memory_space<semaphore_mem>>
    tpu.enqueue_indirect_dma source(%dma_start3A_141 : memref<100000x128xf32, #tpu.memory_space<hbm>>) target(%dma_start3A_135 : memref<128x128xf32, #tpu.memory_space<vmem>>) offsets(%dma_start3A_138 : memref<128xi32, #tpu.memory_space<vmem>>) semaphore(%dma_start3A_143 : memref<!tpu.dma_semaphore, #tpu.memory_space<semaphore_mem>>)
    %dma_wait3A_144 = arith.constant 0 : i32
    %dma_wait3A_145 = arith.constant 2 : i32
    %dma_wait3A_146 = arith.constant 2 : i32
    %dma_wait3A_147 = arith.constant 0 : i32
    %dma_wait3A_148 = arith.constant 0 : i32
    %dma_wait3A_149 = tpu.memref_slice %arg6[%dma_wait3A_145, %dma_wait3A_147, %dma_wait3A_148] : memref<5x128x128xf32, #tpu.memory_space<vmem>> -> memref<1x128x128xf32, #tpu.memory_space<vmem>>
    %dma_wait3A_150 = tpu.memref_squeeze %dma_wait3A_149 : memref<1x128x128xf32, #tpu.memory_space<vmem>> -> memref<128x128xf32, #tpu.memory_space<vmem>>
    %dma_wait3A_151 = arith.constant 0 : i32
    %dma_wait3A_152 = tpu.memref_slice %arg5[%dma_wait3A_144, %dma_wait3A_151] : memref<200x128xi32, #tpu.memory_space<vmem>> -> memref<1x128xi32, #tpu.memory_space<vmem>>
    %dma_wait3A_153 = tpu.memref_squeeze %dma_wait3A_152 : memref<1x128xi32, #tpu.memory_space<vmem>> -> memref<128xi32, #tpu.memory_space<vmem>>
    %dma_wait3A_154 = arith.constant 0 : i32
    %dma_wait3A_155 = arith.constant 0 : i32
    %dma_wait3A_156 = tpu.memref_slice %arg3[%dma_wait3A_154, %dma_wait3A_155] : memref<100000x128xf32, #tpu.memory_space<hbm>> -> memref<100000x128xf32, #tpu.memory_space<hbm>>
    %dma_wait3A_157 = tpu.memref_slice %arg7[%dma_wait3A_146] : memref<5x!tpu.dma_semaphore, #tpu.memory_space<semaphore_mem>> -> memref<1x!tpu.dma_semaphore, #tpu.memory_space<semaphore_mem>>
    %dma_wait3A_158 = tpu.memref_squeeze %dma_wait3A_157 : memref<1x!tpu.dma_semaphore, #tpu.memory_space<semaphore_mem>> -> memref<!tpu.dma_semaphore, #tpu.memory_space<semaphore_mem>>
    tpu.wait_indirect_dma semaphore(%dma_wait3A_158 : memref<!tpu.dma_semaphore, #tpu.memory_space<semaphore_mem>>) src(%dma_wait3A_156 : memref<100000x128xf32, #tpu.memory_space<hbm>>) dst(%dma_wait3A_150 : memref<128x128xf32, #tpu.memory_space<vmem>>)
    %dma_start3A_159 = arith.constant 2 : i32
    %dma_start3A_160 = arith.constant 2 : i32
    %dma_start3A_161 = arith.constant 0 : i32
    %dma_start3A_162 = arith.constant 0 : i32
    %dma_start3A_163 = tpu.memref_slice %arg6[%dma_start3A_159, %dma_start3A_161, %dma_start3A_162] : memref<5x128x128xf32, #tpu.memory_space<vmem>> -> memref<1x128x128xf32, #tpu.memory_space<vmem>>
    %dma_start3A_164 = tpu.memref_squeeze %dma_start3A_163 : memref<1x128x128xf32, #tpu.memory_space<vmem>> -> memref<128x128xf32, #tpu.memory_space<vmem>>
    %dma_start3A_165 = arith.constant 256 : i32
    %dma_start3A_166 = arith.constant 0 : i32
    %dma_start3A_167 = tpu.memref_slice %arg4[%add3A, %dma_start3A_165, %dma_start3A_166] : memref<32x25600x128xf32, #tpu.memory_space<hbm>> -> memref<1x128x128xf32, #tpu.memory_space<hbm>>
    %dma_start3A_168 = tpu.memref_squeeze %dma_start3A_167 : memref<1x128x128xf32, #tpu.memory_space<hbm>> -> memref<128x128xf32, #tpu.memory_space<hbm>>
    %dma_start3A_169 = tpu.memref_slice %arg8[%dma_start3A_160] : memref<5x!tpu.dma_semaphore, #tpu.memory_space<semaphore_mem>> -> memref<1x!tpu.dma_semaphore, #tpu.memory_space<semaphore_mem>>
    %dma_start3A_170 = tpu.memref_squeeze %dma_start3A_169 : memref<1x!tpu.dma_semaphore, #tpu.memory_space<semaphore_mem>> -> memref<!tpu.dma_semaphore, #tpu.memory_space<semaphore_mem>>
    %dma_start3A_171 = arith.constant 256 : i32
    %dma_start3A_172 = arith.constant 0 : i32
    %dma_start3A_173 = tpu.memref_slice %arg4[%add3A, %dma_start3A_171, %dma_start3A_172] : memref<32x25600x128xf32, #tpu.memory_space<hbm>> -> memref<1x128x128xf32, #tpu.memory_space<hbm>>
    %dma_start3A_174 = tpu.memref_squeeze %dma_start3A_173 : memref<1x128x128xf32, #tpu.memory_space<hbm>> -> memref<128x128xf32, #tpu.memory_space<hbm>>
    %dma_start3A_175 = arith.constant 0 : i32
    %dma_start3A_176 = arith.constant 0 : i32
    %dma_start3A_177 = tpu.memref_slice %arg6[%dma_start3A_159, %dma_start3A_175, %dma_start3A_176] : memref<5x128x128xf32, #tpu.memory_space<vmem>> -> memref<1x128x128xf32, #tpu.memory_space<vmem>>
    %dma_start3A_178 = tpu.memref_squeeze %dma_start3A_177 : memref<1x128x128xf32, #tpu.memory_space<vmem>> -> memref<128x128xf32, #tpu.memory_space<vmem>>
    tpu.enqueue_dma source(%dma_start3A_178 : memref<128x128xf32, #tpu.memory_space<vmem>>) target(%dma_start3A_174 : memref<128x128xf32, #tpu.memory_space<hbm>>) target_semaphore(%dma_start3A_170 : memref<!tpu.dma_semaphore, #tpu.memory_space<semaphore_mem>>)
    %dma_wait3A_179 = arith.constant 0 : i32
    %dma_wait3A_180 = arith.constant 0 : i32
    %dma_wait3A_181 = arith.constant 0 : i32
    %dma_wait3A_182 = arith.constant 0 : i32
    %dma_wait3A_183 = tpu.memref_slice %arg6[%dma_wait3A_179, %dma_wait3A_181, %dma_wait3A_182] : memref<5x128x128xf32, #tpu.memory_space<vmem>> -> memref<1x128x128xf32, #tpu.memory_space<vmem>>
    %dma_wait3A_184 = tpu.memref_squeeze %dma_wait3A_183 : memref<1x128x128xf32, #tpu.memory_space<vmem>> -> memref<128x128xf32, #tpu.memory_space<vmem>>
    %dma_wait3A_185 = arith.constant 0 : i32
    %dma_wait3A_186 = arith.constant 0 : i32
    %dma_wait3A_187 = tpu.memref_slice %arg4[%add3A, %dma_wait3A_185, %dma_wait3A_186] : memref<32x25600x128xf32, #tpu.memory_space<hbm>> -> memref<1x128x128xf32, #tpu.memory_space<hbm>>
    %dma_wait3A_188 = tpu.memref_squeeze %dma_wait3A_187 : memref<1x128x128xf32, #tpu.memory_space<hbm>> -> memref<128x128xf32, #tpu.memory_space<hbm>>
    %dma_wait3A_189 = tpu.memref_slice %arg8[%dma_wait3A_180] : memref<5x!tpu.dma_semaphore, #tpu.memory_space<semaphore_mem>> -> memref<1x!tpu.dma_semaphore, #tpu.memory_space<semaphore_mem>>
    %dma_wait3A_190 = tpu.memref_squeeze %dma_wait3A_189 : memref<1x!tpu.dma_semaphore, #tpu.memory_space<semaphore_mem>> -> memref<!tpu.dma_semaphore, #tpu.memory_space<semaphore_mem>>
    %dma_wait3A_191 = arith.constant 0 : i32
    %dma_wait3A_192 = arith.constant 0 : i32
    %dma_wait3A_193 = tpu.memref_slice %arg4[%add3A, %dma_wait3A_191, %dma_wait3A_192] : memref<32x25600x128xf32, #tpu.memory_space<hbm>> -> memref<1x128x128xf32, #tpu.memory_space<hbm>>
    %dma_wait3A_194 = tpu.memref_squeeze %dma_wait3A_193 : memref<1x128x128xf32, #tpu.memory_space<hbm>> -> memref<128x128xf32, #tpu.memory_space<hbm>>
    %dma_wait3A_195 = arith.constant 0 : i32
    %dma_wait3A_196 = arith.constant 0 : i32
    %dma_wait3A_197 = tpu.memref_slice %arg6[%dma_wait3A_179, %dma_wait3A_195, %dma_wait3A_196] : memref<5x128x128xf32, #tpu.memory_space<vmem>> -> memref<1x128x128xf32, #tpu.memory_space<vmem>>
    %dma_wait3A_198 = tpu.memref_squeeze %dma_wait3A_197 : memref<1x128x128xf32, #tpu.memory_space<vmem>> -> memref<128x128xf32, #tpu.memory_space<vmem>>
    tpu.wait_dma2 semaphore(%dma_wait3A_190 : memref<!tpu.dma_semaphore, #tpu.memory_space<semaphore_mem>>) src(%dma_wait3A_198 : memref<128x128xf32, #tpu.memory_space<vmem>>) dst(%dma_wait3A_194 : memref<128x128xf32, #tpu.memory_space<hbm>>)
    %dma_start3A_199 = arith.constant 5 : i32
    %dma_start3A_200 = arith.constant 0 : i32
    %dma_start3A_201 = arith.constant 0 : i32
    %dma_start3A_202 = arith.constant 0 : i32
    %dma_start3A_203 = arith.constant 0 : i32
    %dma_start3A_204 = tpu.memref_slice %arg6[%dma_start3A_200, %dma_start3A_202, %dma_start3A_203] : memref<5x128x128xf32, #tpu.memory_space<vmem>> -> memref<1x128x128xf32, #tpu.memory_space<vmem>>
    %dma_start3A_205 = tpu.memref_squeeze %dma_start3A_204 : memref<1x128x128xf32, #tpu.memory_space<vmem>> -> memref<128x128xf32, #tpu.memory_space<vmem>>
    %dma_start3A_206 = arith.constant 0 : i32
    %dma_start3A_207 = tpu.memref_slice %arg5[%dma_start3A_199, %dma_start3A_206] : memref<200x128xi32, #tpu.memory_space<vmem>> -> memref<1x128xi32, #tpu.memory_space<vmem>>
    %dma_start3A_208 = tpu.memref_squeeze %dma_start3A_207 : memref<1x128xi32, #tpu.memory_space<vmem>> -> memref<128xi32, #tpu.memory_space<vmem>>
    %dma_start3A_209 = arith.constant 0 : i32
    %dma_start3A_210 = arith.constant 0 : i32
    %dma_start3A_211 = tpu.memref_slice %arg3[%dma_start3A_209, %dma_start3A_210] : memref<100000x128xf32, #tpu.memory_space<hbm>> -> memref<100000x128xf32, #tpu.memory_space<hbm>>
    %dma_start3A_212 = tpu.memref_slice %arg7[%dma_start3A_201] : memref<5x!tpu.dma_semaphore, #tpu.memory_space<semaphore_mem>> -> memref<1x!tpu.dma_semaphore, #tpu.memory_space<semaphore_mem>>
    %dma_start3A_213 = tpu.memref_squeeze %dma_start3A_212 : memref<1x!tpu.dma_semaphore, #tpu.memory_space<semaphore_mem>> -> memref<!tpu.dma_semaphore, #tpu.memory_space<semaphore_mem>>
    tpu.enqueue_indirect_dma source(%dma_start3A_211 : memref<100000x128xf32, #tpu.memory_space<hbm>>) target(%dma_start3A_205 : memref<128x128xf32, #tpu.memory_space<vmem>>) offsets(%dma_start3A_208 : memref<128xi32, #tpu.memory_space<vmem>>) semaphore(%dma_start3A_213 : memref<!tpu.dma_semaphore, #tpu.memory_space<semaphore_mem>>)
    %dma_wait3A_214 = arith.constant 0 : i32
    %dma_wait3A_215 = arith.constant 3 : i32
    %dma_wait3A_216 = arith.constant 3 : i32
    %dma_wait3A_217 = arith.constant 0 : i32
    %dma_wait3A_218 = arith.constant 0 : i32
    %dma_wait3A_219 = tpu.memref_slice %arg6[%dma_wait3A_215, %dma_wait3A_217, %dma_wait3A_218] : memref<5x128x128xf32, #tpu.memory_space<vmem>> -> memref<1x128x128xf32, #tpu.memory_space<vmem>>
    %dma_wait3A_220 = tpu.memref_squeeze %dma_wait3A_219 : memref<1x128x128xf32, #tpu.memory_space<vmem>> -> memref<128x128xf32, #tpu.memory_space<vmem>>
    %dma_wait3A_221 = arith.constant 0 : i32
    %dma_wait3A_222 = tpu.memref_slice %arg5[%dma_wait3A_214, %dma_wait3A_221] : memref<200x128xi32, #tpu.memory_space<vmem>> -> memref<1x128xi32, #tpu.memory_space<vmem>>
    %dma_wait3A_223 = tpu.memref_squeeze %dma_wait3A_222 : memref<1x128xi32, #tpu.memory_space<vmem>> -> memref<128xi32, #tpu.memory_space<vmem>>
    %dma_wait3A_224 = arith.constant 0 : i32
    %dma_wait3A_225 = arith.constant 0 : i32
    %dma_wait3A_226 = tpu.memref_slice %arg3[%dma_wait3A_224, %dma_wait3A_225] : memref<100000x128xf32, #tpu.memory_space<hbm>> -> memref<100000x128xf32, #tpu.memory_space<hbm>>
    %dma_wait3A_227 = tpu.memref_slice %arg7[%dma_wait3A_216] : memref<5x!tpu.dma_semaphore, #tpu.memory_space<semaphore_mem>> -> memref<1x!tpu.dma_semaphore, #tpu.memory_space<semaphore_mem>>
    %dma_wait3A_228 = tpu.memref_squeeze %dma_wait3A_227 : memref<1x!tpu.dma_semaphore, #tpu.memory_space<semaphore_mem>> -> memref<!tpu.dma_semaphore, #tpu.memory_space<semaphore_mem>>
    tpu.wait_indirect_dma semaphore(%dma_wait3A_228 : memref<!tpu.dma_semaphore, #tpu.memory_space<semaphore_mem>>) src(%dma_wait3A_226 : memref<100000x128xf32, #tpu.memory_space<hbm>>) dst(%dma_wait3A_220 : memref<128x128xf32, #tpu.memory_space<vmem>>)
    %dma_start3A_229 = arith.constant 3 : i32
    %dma_start3A_230 = arith.constant 3 : i32
    %dma_start3A_231 = arith.constant 0 : i32
    %dma_start3A_232 = arith.constant 0 : i32
    %dma_start3A_233 = tpu.memref_slice %arg6[%dma_start3A_229, %dma_start3A_231, %dma_start3A_232] : memref<5x128x128xf32, #tpu.memory_space<vmem>> -> memref<1x128x128xf32, #tpu.memory_space<vmem>>
    %dma_start3A_234 = tpu.memref_squeeze %dma_start3A_233 : memref<1x128x128xf32, #tpu.memory_space<vmem>> -> memref<128x128xf32, #tpu.memory_space<vmem>>
    %dma_start3A_235 = arith.constant 384 : i32
    %dma_start3A_236 = arith.constant 0 : i32
    %dma_start3A_237 = tpu.memref_slice %arg4[%add3A, %dma_start3A_235, %dma_start3A_236] : memref<32x25600x128xf32, #tpu.memory_space<hbm>> -> memref<1x128x128xf32, #tpu.memory_space<hbm>>
    %dma_start3A_238 = tpu.memref_squeeze %dma_start3A_237 : memref<1x128x128xf32, #tpu.memory_space<hbm>> -> memref<128x128xf32, #tpu.memory_space<hbm>>
    %dma_start3A_239 = tpu.memref_slice %arg8[%dma_start3A_230] : memref<5x!tpu.dma_semaphore, #tpu.memory_space<semaphore_mem>> -> memref<1x!tpu.dma_semaphore, #tpu.memory_space<semaphore_mem>>
    %dma_start3A_240 = tpu.memref_squeeze %dma_start3A_239 : memref<1x!tpu.dma_semaphore, #tpu.memory_space<semaphore_mem>> -> memref<!tpu.dma_semaphore, #tpu.memory_space<semaphore_mem>>
    %dma_start3A_241 = arith.constant 384 : i32
    %dma_start3A_242 = arith.constant 0 : i32
    %dma_start3A_243 = tpu.memref_slice %arg4[%add3A, %dma_start3A_241, %dma_start3A_242] : memref<32x25600x128xf32, #tpu.memory_space<hbm>> -> memref<1x128x128xf32, #tpu.memory_space<hbm>>
    %dma_start3A_244 = tpu.memref_squeeze %dma_start3A_243 : memref<1x128x128xf32, #tpu.memory_space<hbm>> -> memref<128x128xf32, #tpu.memory_space<hbm>>
    %dma_start3A_245 = arith.constant 0 : i32
    %dma_start3A_246 = arith.constant 0 : i32
    %dma_start3A_247 = tpu.memref_slice %arg6[%dma_start3A_229, %dma_start3A_245, %dma_start3A_246] : memref<5x128x128xf32, #tpu.memory_space<vmem>> -> memref<1x128x128xf32, #tpu.memory_space<vmem>>
    %dma_start3A_248 = tpu.memref_squeeze %dma_start3A_247 : memref<1x128x128xf32, #tpu.memory_space<vmem>> -> memref<128x128xf32, #tpu.memory_space<vmem>>
    tpu.enqueue_dma source(%dma_start3A_248 : memref<128x128xf32, #tpu.memory_space<vmem>>) target(%dma_start3A_244 : memref<128x128xf32, #tpu.memory_space<hbm>>) target_semaphore(%dma_start3A_240 : memref<!tpu.dma_semaphore, #tpu.memory_space<semaphore_mem>>)
    %dma_wait3A_249 = arith.constant 1 : i32
    %dma_wait3A_250 = arith.constant 1 : i32
    %dma_wait3A_251 = arith.constant 0 : i32
    %dma_wait3A_252 = arith.constant 0 : i32
    %dma_wait3A_253 = tpu.memref_slice %arg6[%dma_wait3A_249, %dma_wait3A_251, %dma_wait3A_252] : memref<5x128x128xf32, #tpu.memory_space<vmem>> -> memref<1x128x128xf32, #tpu.memory_space<vmem>>
    %dma_wait3A_254 = tpu.memref_squeeze %dma_wait3A_253 : memref<1x128x128xf32, #tpu.memory_space<vmem>> -> memref<128x128xf32, #tpu.memory_space<vmem>>
    %dma_wait3A_255 = arith.constant 0 : i32
    %dma_wait3A_256 = arith.constant 0 : i32
    %dma_wait3A_257 = tpu.memref_slice %arg4[%add3A, %dma_wait3A_255, %dma_wait3A_256] : memref<32x25600x128xf32, #tpu.memory_space<hbm>> -> memref<1x128x128xf32, #tpu.memory_space<hbm>>
    %dma_wait3A_258 = tpu.memref_squeeze %dma_wait3A_257 : memref<1x128x128xf32, #tpu.memory_space<hbm>> -> memref<128x128xf32, #tpu.memory_space<hbm>>
    %dma_wait3A_259 = tpu.memref_slice %arg8[%dma_wait3A_250] : memref<5x!tpu.dma_semaphore, #tpu.memory_space<semaphore_mem>> -> memref<1x!tpu.dma_semaphore, #tpu.memory_space<semaphore_mem>>
    %dma_wait3A_260 = tpu.memref_squeeze %dma_wait3A_259 : memref<1x!tpu.dma_semaphore, #tpu.memory_space<semaphore_mem>> -> memref<!tpu.dma_semaphore, #tpu.memory_space<semaphore_mem>>
    %dma_wait3A_261 = arith.constant 0 : i32
    %dma_wait3A_262 = arith.constant 0 : i32
    %dma_wait3A_263 = tpu.memref_slice %arg4[%add3A, %dma_wait3A_261, %dma_wait3A_262] : memref<32x25600x128xf32, #tpu.memory_space<hbm>> -> memref<1x128x128xf32, #tpu.memory_space<hbm>>
    %dma_wait3A_264 = tpu.memref_squeeze %dma_wait3A_263 : memref<1x128x128xf32, #tpu.memory_space<hbm>> -> memref<128x128xf32, #tpu.memory_space<hbm>>
    %dma_wait3A_265 = arith.constant 0 : i32
    %dma_wait3A_266 = arith.constant 0 : i32
    %dma_wait3A_267 = tpu.memref_slice %arg6[%dma_wait3A_249, %dma_wait3A_265, %dma_wait3A_266] : memref<5x128x128xf32, #tpu.memory_space<vmem>> -> memref<1x128x128xf32, #tpu.memory_space<vmem>>
    %dma_wait3A_268 = tpu.memref_squeeze %dma_wait3A_267 : memref<1x128x128xf32, #tpu.memory_space<vmem>> -> memref<128x128xf32, #tpu.memory_space<vmem>>
    tpu.wait_dma2 semaphore(%dma_wait3A_260 : memref<!tpu.dma_semaphore, #tpu.memory_space<semaphore_mem>>) src(%dma_wait3A_268 : memref<128x128xf32, #tpu.memory_space<vmem>>) dst(%dma_wait3A_264 : memref<128x128xf32, #tpu.memory_space<hbm>>)
    %dma_start3A_269 = arith.constant 6 : i32
    %dma_start3A_270 = arith.constant 1 : i32
    %dma_start3A_271 = arith.constant 1 : i32
    %dma_start3A_272 = arith.constant 0 : i32
    %dma_start3A_273 = arith.constant 0 : i32
    %dma_start3A_274 = tpu.memref_slice %arg6[%dma_start3A_270, %dma_start3A_272, %dma_start3A_273] : memref<5x128x128xf32, #tpu.memory_space<vmem>> -> memref<1x128x128xf32, #tpu.memory_space<vmem>>
    %dma_start3A_275 = tpu.memref_squeeze %dma_start3A_274 : memref<1x128x128xf32, #tpu.memory_space<vmem>> -> memref<128x128xf32, #tpu.memory_space<vmem>>
    %dma_start3A_276 = arith.constant 0 : i32
    %dma_start3A_277 = tpu.memref_slice %arg5[%dma_start3A_269, %dma_start3A_276] : memref<200x128xi32, #tpu.memory_space<vmem>> -> memref<1x128xi32, #tpu.memory_space<vmem>>
    %dma_start3A_278 = tpu.memref_squeeze %dma_start3A_277 : memref<1x128xi32, #tpu.memory_space<vmem>> -> memref<128xi32, #tpu.memory_space<vmem>>
    %dma_start3A_279 = arith.constant 0 : i32
    %dma_start3A_280 = arith.constant 0 : i32
    %dma_start3A_281 = tpu.memref_slice %arg3[%dma_start3A_279, %dma_start3A_280] : memref<100000x128xf32, #tpu.memory_space<hbm>> -> memref<100000x128xf32, #tpu.memory_space<hbm>>
    %dma_start3A_282 = tpu.memref_slice %arg7[%dma_start3A_271] : memref<5x!tpu.dma_semaphore, #tpu.memory_space<semaphore_mem>> -> memref<1x!tpu.dma_semaphore, #tpu.memory_space<semaphore_mem>>
    %dma_start3A_283 = tpu.memref_squeeze %dma_start3A_282 : memref<1x!tpu.dma_semaphore, #tpu.memory_space<semaphore_mem>> -> memref<!tpu.dma_semaphore, #tpu.memory_space<semaphore_mem>>
    tpu.enqueue_indirect_dma source(%dma_start3A_281 : memref<100000x128xf32, #tpu.memory_space<hbm>>) target(%dma_start3A_275 : memref<128x128xf32, #tpu.memory_space<vmem>>) offsets(%dma_start3A_278 : memref<128xi32, #tpu.memory_space<vmem>>) semaphore(%dma_start3A_283 : memref<!tpu.dma_semaphore, #tpu.memory_space<semaphore_mem>>)
    %dma_wait3A_284 = arith.constant 0 : i32
    %dma_wait3A_285 = arith.constant 4 : i32
    %dma_wait3A_286 = arith.constant 4 : i32
    %dma_wait3A_287 = arith.constant 0 : i32
    %dma_wait3A_288 = arith.constant 0 : i32
    %dma_wait3A_289 = tpu.memref_slice %arg6[%dma_wait3A_285, %dma_wait3A_287, %dma_wait3A_288] : memref<5x128x128xf32, #tpu.memory_space<vmem>> -> memref<1x128x128xf32, #tpu.memory_space<vmem>>
    %dma_wait3A_290 = tpu.memref_squeeze %dma_wait3A_289 : memref<1x128x128xf32, #tpu.memory_space<vmem>> -> memref<128x128xf32, #tpu.memory_space<vmem>>
    %dma_wait3A_291 = arith.constant 0 : i32
    %dma_wait3A_292 = tpu.memref_slice %arg5[%dma_wait3A_284, %dma_wait3A_291] : memref<200x128xi32, #tpu.memory_space<vmem>> -> memref<1x128xi32, #tpu.memory_space<vmem>>
    %dma_wait3A_293 = tpu.memref_squeeze %dma_wait3A_292 : memref<1x128xi32, #tpu.memory_space<vmem>> -> memref<128xi32, #tpu.memory_space<vmem>>
    %dma_wait3A_294 = arith.constant 0 : i32
    %dma_wait3A_295 = arith.constant 0 : i32
    %dma_wait3A_296 = tpu.memref_slice %arg3[%dma_wait3A_294, %dma_wait3A_295] : memref<100000x128xf32, #tpu.memory_space<hbm>> -> memref<100000x128xf32, #tpu.memory_space<hbm>>
    %dma_wait3A_297 = tpu.memref_slice %arg7[%dma_wait3A_286] : memref<5x!tpu.dma_semaphore, #tpu.memory_space<semaphore_mem>> -> memref<1x!tpu.dma_semaphore, #tpu.memory_space<semaphore_mem>>
    %dma_wait3A_298 = tpu.memref_squeeze %dma_wait3A_297 : memref<1x!tpu.dma_semaphore, #tpu.memory_space<semaphore_mem>> -> memref<!tpu.dma_semaphore, #tpu.memory_space<semaphore_mem>>
    tpu.wait_indirect_dma semaphore(%dma_wait3A_298 : memref<!tpu.dma_semaphore, #tpu.memory_space<semaphore_mem>>) src(%dma_wait3A_296 : memref<100000x128xf32, #tpu.memory_space<hbm>>) dst(%dma_wait3A_290 : memref<128x128xf32, #tpu.memory_space<vmem>>)
    %dma_start3A_299 = arith.constant 4 : i32
    %dma_start3A_300 = arith.constant 4 : i32
    %dma_start3A_301 = arith.constant 0 : i32
    %dma_start3A_302 = arith.constant 0 : i32
    %dma_start3A_303 = tpu.memref_slice %arg6[%dma_start3A_299, %dma_start3A_301, %dma_start3A_302] : memref<5x128x128xf32, #tpu.memory_space<vmem>> -> memref<1x128x128xf32, #tpu.memory_space<vmem>>
    %dma_start3A_304 = tpu.memref_squeeze %dma_start3A_303 : memref<1x128x128xf32, #tpu.memory_space<vmem>> -> memref<128x128xf32, #tpu.memory_space<vmem>>
    %dma_start3A_305 = arith.constant 512 : i32
    %dma_start3A_306 = arith.constant 0 : i32
    %dma_start3A_307 = tpu.memref_slice %arg4[%add3A, %dma_start3A_305, %dma_start3A_306] : memref<32x25600x128xf32, #tpu.memory_space<hbm>> -> memref<1x128x128xf32, #tpu.memory_space<hbm>>
    %dma_start3A_308 = tpu.memref_squeeze %dma_start3A_307 : memref<1x128x128xf32, #tpu.memory_space<hbm>> -> memref<128x128xf32, #tpu.memory_space<hbm>>
    %dma_start3A_309 = tpu.memref_slice %arg8[%dma_start3A_300] : memref<5x!tpu.dma_semaphore, #tpu.memory_space<semaphore_mem>> -> memref<1x!tpu.dma_semaphore, #tpu.memory_space<semaphore_mem>>
    %dma_start3A_310 = tpu.memref_squeeze %dma_start3A_309 : memref<1x!tpu.dma_semaphore, #tpu.memory_space<semaphore_mem>> -> memref<!tpu.dma_semaphore, #tpu.memory_space<semaphore_mem>>
    %dma_start3A_311 = arith.constant 512 : i32
    %dma_start3A_312 = arith.constant 0 : i32
    %dma_start3A_313 = tpu.memref_slice %arg4[%add3A, %dma_start3A_311, %dma_start3A_312] : memref<32x25600x128xf32, #tpu.memory_space<hbm>> -> memref<1x128x128xf32, #tpu.memory_space<hbm>>
    %dma_start3A_314 = tpu.memref_squeeze %dma_start3A_313 : memref<1x128x128xf32, #tpu.memory_space<hbm>> -> memref<128x128xf32, #tpu.memory_space<hbm>>
    %dma_start3A_315 = arith.constant 0 : i32
    %dma_start3A_316 = arith.constant 0 : i32
    %dma_start3A_317 = tpu.memref_slice %arg6[%dma_start3A_299, %dma_start3A_315, %dma_start3A_316] : memref<5x128x128xf32, #tpu.memory_space<vmem>> -> memref<1x128x128xf32, #tpu.memory_space<vmem>>
    %dma_start3A_318 = tpu.memref_squeeze %dma_start3A_317 : memref<1x128x128xf32, #tpu.memory_space<vmem>> -> memref<128x128xf32, #tpu.memory_space<vmem>>
    tpu.enqueue_dma source(%dma_start3A_318 : memref<128x128xf32, #tpu.memory_space<vmem>>) target(%dma_start3A_314 : memref<128x128xf32, #tpu.memory_space<hbm>>) target_semaphore(%dma_start3A_310 : memref<!tpu.dma_semaphore, #tpu.memory_space<semaphore_mem>>)
    %dma_wait3A_319 = arith.constant 2 : i32
    %dma_wait3A_320 = arith.constant 2 : i32
    %dma_wait3A_321 = arith.constant 0 : i32
    %dma_wait3A_322 = arith.constant 0 : i32
    %dma_wait3A_323 = tpu.memref_slice %arg6[%dma_wait3A_319, %dma_wait3A_321, %dma_wait3A_322] : memref<5x128x128xf32, #tpu.memory_space<vmem>> -> memref<1x128x128xf32, #tpu.memory_space<vmem>>
    %dma_wait3A_324 = tpu.memref_squeeze %dma_wait3A_323 : memref<1x128x128xf32, #tpu.memory_space<vmem>> -> memref<128x128xf32, #tpu.memory_space<vmem>>
    %dma_wait3A_325 = arith.constant 0 : i32
    %dma_wait3A_326 = arith.constant 0 : i32
    %dma_wait3A_327 = tpu.memref_slice %arg4[%add3A, %dma_wait3A_325, %dma_wait3A_326] : memref<32x25600x128xf32, #tpu.memory_space<hbm>> -> memref<1x128x128xf32, #tpu.memory_space<hbm>>
    %dma_wait3A_328 = tpu.memref_squeeze %dma_wait3A_327 : memref<1x128x128xf32, #tpu.memory_space<hbm>> -> memref<128x128xf32, #tpu.memory_space<hbm>>
    %dma_wait3A_329 = tpu.memref_slice %arg8[%dma_wait3A_320] : memref<5x!tpu.dma_semaphore, #tpu.memory_space<semaphore_mem>> -> memref<1x!tpu.dma_semaphore, #tpu.memory_space<semaphore_mem>>
    %dma_wait3A_330 = tpu.memref_squeeze %dma_wait3A_329 : memref<1x!tpu.dma_semaphore, #tpu.memory_space<semaphore_mem>> -> memref<!tpu.dma_semaphore, #tpu.memory_space<semaphore_mem>>
    %dma_wait3A_331 = arith.constant 0 : i32
    %dma_wait3A_332 = arith.constant 0 : i32
    %dma_wait3A_333 = tpu.memref_slice %arg4[%add3A, %dma_wait3A_331, %dma_wait3A_332] : memref<32x25600x128xf32, #tpu.memory_space<hbm>> -> memref<1x128x128xf32, #tpu.memory_space<hbm>>
    %dma_wait3A_334 = tpu.memref_squeeze %dma_wait3A_333 : memref<1x128x128xf32, #tpu.memory_space<hbm>> -> memref<128x128xf32, #tpu.memory_space<hbm>>
    %dma_wait3A_335 = arith.constant 0 : i32
    %dma_wait3A_336 = arith.constant 0 : i32
    %dma_wait3A_337 = tpu.memref_slice %arg6[%dma_wait3A_319, %dma_wait3A_335, %dma_wait3A_336] : memref<5x128x128xf32, #tpu.memory_space<vmem>> -> memref<1x128x128xf32, #tpu.memory_space<vmem>>
    %dma_wait3A_338 = tpu.memref_squeeze %dma_wait3A_337 : memref<1x128x128xf32, #tpu.memory_space<vmem>> -> memref<128x128xf32, #tpu.memory_space<vmem>>
    tpu.wait_dma2 semaphore(%dma_wait3A_330 : memref<!tpu.dma_semaphore, #tpu.memory_space<semaphore_mem>>) src(%dma_wait3A_338 : memref<128x128xf32, #tpu.memory_space<vmem>>) dst(%dma_wait3A_334 : memref<128x128xf32, #tpu.memory_space<hbm>>)
    %dma_start3A_339 = arith.constant 7 : i32
    %dma_start3A_340 = arith.constant 2 : i32
    %dma_start3A_341 = arith.constant 2 : i32
    %dma_start3A_342 = arith.constant 0 : i32
    %dma_start3A_343 = arith.constant 0 : i32
    %dma_start3A_344 = tpu.memref_slice %arg6[%dma_start3A_340, %dma_start3A_342, %dma_start3A_343] : memref<5x128x128xf32, #tpu.memory_space<vmem>> -> memref<1x128x128xf32, #tpu.memory_space<vmem>>
    %dma_start3A_345 = tpu.memref_squeeze %dma_start3A_344 : memref<1x128x128xf32, #tpu.memory_space<vmem>> -> memref<128x128xf32, #tpu.memory_space<vmem>>
    %dma_start3A_346 = arith.constant 0 : i32
    %dma_start3A_347 = tpu.memref_slice %arg5[%dma_start3A_339, %dma_start3A_346] : memref<200x128xi32, #tpu.memory_space<vmem>> -> memref<1x128xi32, #tpu.memory_space<vmem>>
    %dma_start3A_348 = tpu.memref_squeeze %dma_start3A_347 : memref<1x128xi32, #tpu.memory_space<vmem>> -> memref<128xi32, #tpu.memory_space<vmem>>
    %dma_start3A_349 = arith.constant 0 : i32
    %dma_start3A_350 = arith.constant 0 : i32
    %dma_start3A_351 = tpu.memref_slice %arg3[%dma_start3A_349, %dma_start3A_350] : memref<100000x128xf32, #tpu.memory_space<hbm>> -> memref<100000x128xf32, #tpu.memory_space<hbm>>
    %dma_start3A_352 = tpu.memref_slice %arg7[%dma_start3A_341] : memref<5x!tpu.dma_semaphore, #tpu.memory_space<semaphore_mem>> -> memref<1x!tpu.dma_semaphore, #tpu.memory_space<semaphore_mem>>
    %dma_start3A_353 = tpu.memref_squeeze %dma_start3A_352 : memref<1x!tpu.dma_semaphore, #tpu.memory_space<semaphore_mem>> -> memref<!tpu.dma_semaphore, #tpu.memory_space<semaphore_mem>>
    tpu.enqueue_indirect_dma source(%dma_start3A_351 : memref<100000x128xf32, #tpu.memory_space<hbm>>) target(%dma_start3A_345 : memref<128x128xf32, #tpu.memory_space<vmem>>) offsets(%dma_start3A_348 : memref<128xi32, #tpu.memory_space<vmem>>) semaphore(%dma_start3A_353 : memref<!tpu.dma_semaphore, #tpu.memory_space<semaphore_mem>>)
    %scan3A = arith.constant 0 : i32
    %scan3A_354 = arith.constant 1 : i32
    %scan3A_355 = arith.constant 38 : i32
    %scan3A_356 = arith.addi %scan3A_354, %scan3A_355 : i32
    %scan3A_357 = arith.constant 1 : i32
    %scan3A_358 = scf.for %scan3A_705 = %scan3A_354 to %scan3A_356 step %scan3A_357 iter_args(%scan3A_706 = %scan3A) -> (i32)  : i32 {
      %mul3A_707 = arith.constant 5 : i32
      %mul3A_708 = arith.muli %scan3A_705, %mul3A_707 : i32
      %add3A_709 = arith.constant 0 : i32
      %add3A_710 = arith.addi %mul3A_708, %add3A_709 : i32
      %dma_wait3A_711 = arith.constant 0 : i32
      %dma_wait3A_712 = arith.constant 0 : i32
      %dma_wait3A_713 = arith.constant 0 : i32
      %dma_wait3A_714 = arith.constant 0 : i32
      %dma_wait3A_715 = arith.constant 0 : i32
      %dma_wait3A_716 = tpu.memref_slice %arg6[%dma_wait3A_712, %dma_wait3A_714, %dma_wait3A_715] : memref<5x128x128xf32, #tpu.memory_space<vmem>> -> memref<1x128x128xf32, #tpu.memory_space<vmem>>
      %dma_wait3A_717 = tpu.memref_squeeze %dma_wait3A_716 : memref<1x128x128xf32, #tpu.memory_space<vmem>> -> memref<128x128xf32, #tpu.memory_space<vmem>>
      %dma_wait3A_718 = arith.constant 0 : i32
      %dma_wait3A_719 = tpu.memref_slice %arg5[%dma_wait3A_711, %dma_wait3A_718] : memref<200x128xi32, #tpu.memory_space<vmem>> -> memref<1x128xi32, #tpu.memory_space<vmem>>
      %dma_wait3A_720 = tpu.memref_squeeze %dma_wait3A_719 : memref<1x128xi32, #tpu.memory_space<vmem>> -> memref<128xi32, #tpu.memory_space<vmem>>
      %dma_wait3A_721 = arith.constant 0 : i32
      %dma_wait3A_722 = arith.constant 0 : i32
      %dma_wait3A_723 = tpu.memref_slice %arg3[%dma_wait3A_721, %dma_wait3A_722] : memref<100000x128xf32, #tpu.memory_space<hbm>> -> memref<100000x128xf32, #tpu.memory_space<hbm>>
      %dma_wait3A_724 = tpu.memref_slice %arg7[%dma_wait3A_713] : memref<5x!tpu.dma_semaphore, #tpu.memory_space<semaphore_mem>> -> memref<1x!tpu.dma_semaphore, #tpu.memory_space<semaphore_mem>>
      %dma_wait3A_725 = tpu.memref_squeeze %dma_wait3A_724 : memref<1x!tpu.dma_semaphore, #tpu.memory_space<semaphore_mem>> -> memref<!tpu.dma_semaphore, #tpu.memory_space<semaphore_mem>>
      tpu.wait_indirect_dma semaphore(%dma_wait3A_725 : memref<!tpu.dma_semaphore, #tpu.memory_space<semaphore_mem>>) src(%dma_wait3A_723 : memref<100000x128xf32, #tpu.memory_space<hbm>>) dst(%dma_wait3A_717 : memref<128x128xf32, #tpu.memory_space<vmem>>)
      %mul3A_726 = arith.constant 128 : i32
      %mul3A_727 = arith.muli %add3A_710, %mul3A_726 : i32
      %dma_start3A_728 = arith.constant 0 : i32
      %dma_start3A_729 = arith.constant 0 : i32
      %dma_start3A_730 = arith.constant 0 : i32
      %dma_start3A_731 = arith.constant 0 : i32
      %dma_start3A_732 = tpu.memref_slice %arg6[%dma_start3A_728, %dma_start3A_730, %dma_start3A_731] : memref<5x128x128xf32, #tpu.memory_space<vmem>> -> memref<1x128x128xf32, #tpu.memory_space<vmem>>
      %dma_start3A_733 = tpu.memref_squeeze %dma_start3A_732 : memref<1x128x128xf32, #tpu.memory_space<vmem>> -> memref<128x128xf32, #tpu.memory_space<vmem>>
      %dma_start3A_734 = arith.constant 0 : i32
      %dma_start3A_735 = tpu.memref_slice %arg4[%add3A, %mul3A_727, %dma_start3A_734] : memref<32x25600x128xf32, #tpu.memory_space<hbm>> -> memref<1x128x128xf32, #tpu.memory_space<hbm>>
      %dma_start3A_736 = tpu.memref_squeeze %dma_start3A_735 : memref<1x128x128xf32, #tpu.memory_space<hbm>> -> memref<128x128xf32, #tpu.memory_space<hbm>>
      %dma_start3A_737 = tpu.memref_slice %arg8[%dma_start3A_729] : memref<5x!tpu.dma_semaphore, #tpu.memory_space<semaphore_mem>> -> memref<1x!tpu.dma_semaphore, #tpu.memory_space<semaphore_mem>>
      %dma_start3A_738 = tpu.memref_squeeze %dma_start3A_737 : memref<1x!tpu.dma_semaphore, #tpu.memory_space<semaphore_mem>> -> memref<!tpu.dma_semaphore, #tpu.memory_space<semaphore_mem>>
      %dma_start3A_739 = arith.constant 0 : i32
      %dma_start3A_740 = tpu.memref_slice %arg4[%add3A, %mul3A_727, %dma_start3A_739] : memref<32x25600x128xf32, #tpu.memory_space<hbm>> -> memref<1x128x128xf32, #tpu.memory_space<hbm>>
      %dma_start3A_741 = tpu.memref_squeeze %dma_start3A_740 : memref<1x128x128xf32, #tpu.memory_space<hbm>> -> memref<128x128xf32, #tpu.memory_space<hbm>>
      %dma_start3A_742 = arith.constant 0 : i32
      %dma_start3A_743 = arith.constant 0 : i32
      %dma_start3A_744 = tpu.memref_slice %arg6[%dma_start3A_728, %dma_start3A_742, %dma_start3A_743] : memref<5x128x128xf32, #tpu.memory_space<vmem>> -> memref<1x128x128xf32, #tpu.memory_space<vmem>>
      %dma_start3A_745 = tpu.memref_squeeze %dma_start3A_744 : memref<1x128x128xf32, #tpu.memory_space<vmem>> -> memref<128x128xf32, #tpu.memory_space<vmem>>
      tpu.enqueue_dma source(%dma_start3A_745 : memref<128x128xf32, #tpu.memory_space<vmem>>) target(%dma_start3A_741 : memref<128x128xf32, #tpu.memory_space<hbm>>) target_semaphore(%dma_start3A_738 : memref<!tpu.dma_semaphore, #tpu.memory_space<semaphore_mem>>)
      %dma_wait3A_746 = arith.constant 3 : i32
      %dma_wait3A_747 = arith.constant 3 : i32
      %dma_wait3A_748 = arith.constant 0 : i32
      %dma_wait3A_749 = arith.constant 0 : i32
      %dma_wait3A_750 = tpu.memref_slice %arg6[%dma_wait3A_746, %dma_wait3A_748, %dma_wait3A_749] : memref<5x128x128xf32, #tpu.memory_space<vmem>> -> memref<1x128x128xf32, #tpu.memory_space<vmem>>
      %dma_wait3A_751 = tpu.memref_squeeze %dma_wait3A_750 : memref<1x128x128xf32, #tpu.memory_space<vmem>> -> memref<128x128xf32, #tpu.memory_space<vmem>>
      %dma_wait3A_752 = arith.constant 0 : i32
      %dma_wait3A_753 = arith.constant 0 : i32
      %dma_wait3A_754 = tpu.memref_slice %arg4[%add3A, %dma_wait3A_752, %dma_wait3A_753] : memref<32x25600x128xf32, #tpu.memory_space<hbm>> -> memref<1x128x128xf32, #tpu.memory_space<hbm>>
      %dma_wait3A_755 = tpu.memref_squeeze %dma_wait3A_754 : memref<1x128x128xf32, #tpu.memory_space<hbm>> -> memref<128x128xf32, #tpu.memory_space<hbm>>
      %dma_wait3A_756 = tpu.memref_slice %arg8[%dma_wait3A_747] : memref<5x!tpu.dma_semaphore, #tpu.memory_space<semaphore_mem>> -> memref<1x!tpu.dma_semaphore, #tpu.memory_space<semaphore_mem>>
      %dma_wait3A_757 = tpu.memref_squeeze %dma_wait3A_756 : memref<1x!tpu.dma_semaphore, #tpu.memory_space<semaphore_mem>> -> memref<!tpu.dma_semaphore, #tpu.memory_space<semaphore_mem>>
      %dma_wait3A_758 = arith.constant 0 : i32
      %dma_wait3A_759 = arith.constant 0 : i32
      %dma_wait3A_760 = tpu.memref_slice %arg4[%add3A, %dma_wait3A_758, %dma_wait3A_759] : memref<32x25600x128xf32, #tpu.memory_space<hbm>> -> memref<1x128x128xf32, #tpu.memory_space<hbm>>
      %dma_wait3A_761 = tpu.memref_squeeze %dma_wait3A_760 : memref<1x128x128xf32, #tpu.memory_space<hbm>> -> memref<128x128xf32, #tpu.memory_space<hbm>>
      %dma_wait3A_762 = arith.constant 0 : i32
      %dma_wait3A_763 = arith.constant 0 : i32
      %dma_wait3A_764 = tpu.memref_slice %arg6[%dma_wait3A_746, %dma_wait3A_762, %dma_wait3A_763] : memref<5x128x128xf32, #tpu.memory_space<vmem>> -> memref<1x128x128xf32, #tpu.memory_space<vmem>>
      %dma_wait3A_765 = tpu.memref_squeeze %dma_wait3A_764 : memref<1x128x128xf32, #tpu.memory_space<vmem>> -> memref<128x128xf32, #tpu.memory_space<vmem>>
      tpu.wait_dma2 semaphore(%dma_wait3A_757 : memref<!tpu.dma_semaphore, #tpu.memory_space<semaphore_mem>>) src(%dma_wait3A_765 : memref<128x128xf32, #tpu.memory_space<vmem>>) dst(%dma_wait3A_761 : memref<128x128xf32, #tpu.memory_space<hbm>>)
      %add3A_766 = arith.constant 3 : i32
      %add3A_767 = arith.addi %add3A_710, %add3A_766 : i32
      %dma_start3A_768 = arith.constant 3 : i32
      %dma_start3A_769 = arith.constant 3 : i32
      %dma_start3A_770 = arith.constant 0 : i32
      %dma_start3A_771 = arith.constant 0 : i32
      %dma_start3A_772 = tpu.memref_slice %arg6[%dma_start3A_768, %dma_start3A_770, %dma_start3A_771] : memref<5x128x128xf32, #tpu.memory_space<vmem>> -> memref<1x128x128xf32, #tpu.memory_space<vmem>>
      %dma_start3A_773 = tpu.memref_squeeze %dma_start3A_772 : memref<1x128x128xf32, #tpu.memory_space<vmem>> -> memref<128x128xf32, #tpu.memory_space<vmem>>
      %dma_start3A_774 = arith.constant 0 : i32
      %dma_start3A_775 = tpu.memref_slice %arg5[%add3A_767, %dma_start3A_774] : memref<200x128xi32, #tpu.memory_space<vmem>> -> memref<1x128xi32, #tpu.memory_space<vmem>>
      %dma_start3A_776 = tpu.memref_squeeze %dma_start3A_775 : memref<1x128xi32, #tpu.memory_space<vmem>> -> memref<128xi32, #tpu.memory_space<vmem>>
      %dma_start3A_777 = arith.constant 0 : i32
      %dma_start3A_778 = arith.constant 0 : i32
      %dma_start3A_779 = tpu.memref_slice %arg3[%dma_start3A_777, %dma_start3A_778] : memref<100000x128xf32, #tpu.memory_space<hbm>> -> memref<100000x128xf32, #tpu.memory_space<hbm>>
      %dma_start3A_780 = tpu.memref_slice %arg7[%dma_start3A_769] : memref<5x!tpu.dma_semaphore, #tpu.memory_space<semaphore_mem>> -> memref<1x!tpu.dma_semaphore, #tpu.memory_space<semaphore_mem>>
      %dma_start3A_781 = tpu.memref_squeeze %dma_start3A_780 : memref<1x!tpu.dma_semaphore, #tpu.memory_space<semaphore_mem>> -> memref<!tpu.dma_semaphore, #tpu.memory_space<semaphore_mem>>
      tpu.enqueue_indirect_dma source(%dma_start3A_779 : memref<100000x128xf32, #tpu.memory_space<hbm>>) target(%dma_start3A_773 : memref<128x128xf32, #tpu.memory_space<vmem>>) offsets(%dma_start3A_776 : memref<128xi32, #tpu.memory_space<vmem>>) semaphore(%dma_start3A_781 : memref<!tpu.dma_semaphore, #tpu.memory_space<semaphore_mem>>)
      %mul3A_782 = arith.constant 5 : i32
      %mul3A_783 = arith.muli %scan3A_705, %mul3A_782 : i32
      %add3A_784 = arith.constant 1 : i32
      %add3A_785 = arith.addi %mul3A_783, %add3A_784 : i32
      %dma_wait3A_786 = arith.constant 0 : i32
      %dma_wait3A_787 = arith.constant 1 : i32
      %dma_wait3A_788 = arith.constant 1 : i32
      %dma_wait3A_789 = arith.constant 0 : i32
      %dma_wait3A_790 = arith.constant 0 : i32
      %dma_wait3A_791 = tpu.memref_slice %arg6[%dma_wait3A_787, %dma_wait3A_789, %dma_wait3A_790] : memref<5x128x128xf32, #tpu.memory_space<vmem>> -> memref<1x128x128xf32, #tpu.memory_space<vmem>>
      %dma_wait3A_792 = tpu.memref_squeeze %dma_wait3A_791 : memref<1x128x128xf32, #tpu.memory_space<vmem>> -> memref<128x128xf32, #tpu.memory_space<vmem>>
      %dma_wait3A_793 = arith.constant 0 : i32
      %dma_wait3A_794 = tpu.memref_slice %arg5[%dma_wait3A_786, %dma_wait3A_793] : memref<200x128xi32, #tpu.memory_space<vmem>> -> memref<1x128xi32, #tpu.memory_space<vmem>>
      %dma_wait3A_795 = tpu.memref_squeeze %dma_wait3A_794 : memref<1x128xi32, #tpu.memory_space<vmem>> -> memref<128xi32, #tpu.memory_space<vmem>>
      %dma_wait3A_796 = arith.constant 0 : i32
      %dma_wait3A_797 = arith.constant 0 : i32
      %dma_wait3A_798 = tpu.memref_slice %arg3[%dma_wait3A_796, %dma_wait3A_797] : memref<100000x128xf32, #tpu.memory_space<hbm>> -> memref<100000x128xf32, #tpu.memory_space<hbm>>
      %dma_wait3A_799 = tpu.memref_slice %arg7[%dma_wait3A_788] : memref<5x!tpu.dma_semaphore, #tpu.memory_space<semaphore_mem>> -> memref<1x!tpu.dma_semaphore, #tpu.memory_space<semaphore_mem>>
      %dma_wait3A_800 = tpu.memref_squeeze %dma_wait3A_799 : memref<1x!tpu.dma_semaphore, #tpu.memory_space<semaphore_mem>> -> memref<!tpu.dma_semaphore, #tpu.memory_space<semaphore_mem>>
      tpu.wait_indirect_dma semaphore(%dma_wait3A_800 : memref<!tpu.dma_semaphore, #tpu.memory_space<semaphore_mem>>) src(%dma_wait3A_798 : memref<100000x128xf32, #tpu.memory_space<hbm>>) dst(%dma_wait3A_792 : memref<128x128xf32, #tpu.memory_space<vmem>>)
      %mul3A_801 = arith.constant 128 : i32
      %mul3A_802 = arith.muli %add3A_785, %mul3A_801 : i32
      %dma_start3A_803 = arith.constant 1 : i32
      %dma_start3A_804 = arith.constant 1 : i32
      %dma_start3A_805 = arith.constant 0 : i32
      %dma_start3A_806 = arith.constant 0 : i32
      %dma_start3A_807 = tpu.memref_slice %arg6[%dma_start3A_803, %dma_start3A_805, %dma_start3A_806] : memref<5x128x128xf32, #tpu.memory_space<vmem>> -> memref<1x128x128xf32, #tpu.memory_space<vmem>>
      %dma_start3A_808 = tpu.memref_squeeze %dma_start3A_807 : memref<1x128x128xf32, #tpu.memory_space<vmem>> -> memref<128x128xf32, #tpu.memory_space<vmem>>
      %dma_start3A_809 = arith.constant 0 : i32
      %dma_start3A_810 = tpu.memref_slice %arg4[%add3A, %mul3A_802, %dma_start3A_809] : memref<32x25600x128xf32, #tpu.memory_space<hbm>> -> memref<1x128x128xf32, #tpu.memory_space<hbm>>
      %dma_start3A_811 = tpu.memref_squeeze %dma_start3A_810 : memref<1x128x128xf32, #tpu.memory_space<hbm>> -> memref<128x128xf32, #tpu.memory_space<hbm>>
      %dma_start3A_812 = tpu.memref_slice %arg8[%dma_start3A_804] : memref<5x!tpu.dma_semaphore, #tpu.memory_space<semaphore_mem>> -> memref<1x!tpu.dma_semaphore, #tpu.memory_space<semaphore_mem>>
      %dma_start3A_813 = tpu.memref_squeeze %dma_start3A_812 : memref<1x!tpu.dma_semaphore, #tpu.memory_space<semaphore_mem>> -> memref<!tpu.dma_semaphore, #tpu.memory_space<semaphore_mem>>
      %dma_start3A_814 = arith.constant 0 : i32
      %dma_start3A_815 = tpu.memref_slice %arg4[%add3A, %mul3A_802, %dma_start3A_814] : memref<32x25600x128xf32, #tpu.memory_space<hbm>> -> memref<1x128x128xf32, #tpu.memory_space<hbm>>
      %dma_start3A_816 = tpu.memref_squeeze %dma_start3A_815 : memref<1x128x128xf32, #tpu.memory_space<hbm>> -> memref<128x128xf32, #tpu.memory_space<hbm>>
      %dma_start3A_817 = arith.constant 0 : i32
      %dma_start3A_818 = arith.constant 0 : i32
      %dma_start3A_819 = tpu.memref_slice %arg6[%dma_start3A_803, %dma_start3A_817, %dma_start3A_818] : memref<5x128x128xf32, #tpu.memory_space<vmem>> -> memref<1x128x128xf32, #tpu.memory_space<vmem>>
      %dma_start3A_820 = tpu.memref_squeeze %dma_start3A_819 : memref<1x128x128xf32, #tpu.memory_space<vmem>> -> memref<128x128xf32, #tpu.memory_space<vmem>>
      tpu.enqueue_dma source(%dma_start3A_820 : memref<128x128xf32, #tpu.memory_space<vmem>>) target(%dma_start3A_816 : memref<128x128xf32, #tpu.memory_space<hbm>>) target_semaphore(%dma_start3A_813 : memref<!tpu.dma_semaphore, #tpu.memory_space<semaphore_mem>>)
      %dma_wait3A_821 = arith.constant 4 : i32
      %dma_wait3A_822 = arith.constant 4 : i32
      %dma_wait3A_823 = arith.constant 0 : i32
      %dma_wait3A_824 = arith.constant 0 : i32
      %dma_wait3A_825 = tpu.memref_slice %arg6[%dma_wait3A_821, %dma_wait3A_823, %dma_wait3A_824] : memref<5x128x128xf32, #tpu.memory_space<vmem>> -> memref<1x128x128xf32, #tpu.memory_space<vmem>>
      %dma_wait3A_826 = tpu.memref_squeeze %dma_wait3A_825 : memref<1x128x128xf32, #tpu.memory_space<vmem>> -> memref<128x128xf32, #tpu.memory_space<vmem>>
      %dma_wait3A_827 = arith.constant 0 : i32
      %dma_wait3A_828 = arith.constant 0 : i32
      %dma_wait3A_829 = tpu.memref_slice %arg4[%add3A, %dma_wait3A_827, %dma_wait3A_828] : memref<32x25600x128xf32, #tpu.memory_space<hbm>> -> memref<1x128x128xf32, #tpu.memory_space<hbm>>
      %dma_wait3A_830 = tpu.memref_squeeze %dma_wait3A_829 : memref<1x128x128xf32, #tpu.memory_space<hbm>> -> memref<128x128xf32, #tpu.memory_space<hbm>>
      %dma_wait3A_831 = tpu.memref_slice %arg8[%dma_wait3A_822] : memref<5x!tpu.dma_semaphore, #tpu.memory_space<semaphore_mem>> -> memref<1x!tpu.dma_semaphore, #tpu.memory_space<semaphore_mem>>
      %dma_wait3A_832 = tpu.memref_squeeze %dma_wait3A_831 : memref<1x!tpu.dma_semaphore, #tpu.memory_space<semaphore_mem>> -> memref<!tpu.dma_semaphore, #tpu.memory_space<semaphore_mem>>
      %dma_wait3A_833 = arith.constant 0 : i32
      %dma_wait3A_834 = arith.constant 0 : i32
      %dma_wait3A_835 = tpu.memref_slice %arg4[%add3A, %dma_wait3A_833, %dma_wait3A_834] : memref<32x25600x128xf32, #tpu.memory_space<hbm>> -> memref<1x128x128xf32, #tpu.memory_space<hbm>>
      %dma_wait3A_836 = tpu.memref_squeeze %dma_wait3A_835 : memref<1x128x128xf32, #tpu.memory_space<hbm>> -> memref<128x128xf32, #tpu.memory_space<hbm>>
      %dma_wait3A_837 = arith.constant 0 : i32
      %dma_wait3A_838 = arith.constant 0 : i32
      %dma_wait3A_839 = tpu.memref_slice %arg6[%dma_wait3A_821, %dma_wait3A_837, %dma_wait3A_838] : memref<5x128x128xf32, #tpu.memory_space<vmem>> -> memref<1x128x128xf32, #tpu.memory_space<vmem>>
      %dma_wait3A_840 = tpu.memref_squeeze %dma_wait3A_839 : memref<1x128x128xf32, #tpu.memory_space<vmem>> -> memref<128x128xf32, #tpu.memory_space<vmem>>
      tpu.wait_dma2 semaphore(%dma_wait3A_832 : memref<!tpu.dma_semaphore, #tpu.memory_space<semaphore_mem>>) src(%dma_wait3A_840 : memref<128x128xf32, #tpu.memory_space<vmem>>) dst(%dma_wait3A_836 : memref<128x128xf32, #tpu.memory_space<hbm>>)
      %add3A_841 = arith.constant 3 : i32
      %add3A_842 = arith.addi %add3A_785, %add3A_841 : i32
      %dma_start3A_843 = arith.constant 4 : i32
      %dma_start3A_844 = arith.constant 4 : i32
      %dma_start3A_845 = arith.constant 0 : i32
      %dma_start3A_846 = arith.constant 0 : i32
      %dma_start3A_847 = tpu.memref_slice %arg6[%dma_start3A_843, %dma_start3A_845, %dma_start3A_846] : memref<5x128x128xf32, #tpu.memory_space<vmem>> -> memref<1x128x128xf32, #tpu.memory_space<vmem>>
      %dma_start3A_848 = tpu.memref_squeeze %dma_start3A_847 : memref<1x128x128xf32, #tpu.memory_space<vmem>> -> memref<128x128xf32, #tpu.memory_space<vmem>>
      %dma_start3A_849 = arith.constant 0 : i32
      %dma_start3A_850 = tpu.memref_slice %arg5[%add3A_842, %dma_start3A_849] : memref<200x128xi32, #tpu.memory_space<vmem>> -> memref<1x128xi32, #tpu.memory_space<vmem>>
      %dma_start3A_851 = tpu.memref_squeeze %dma_start3A_850 : memref<1x128xi32, #tpu.memory_space<vmem>> -> memref<128xi32, #tpu.memory_space<vmem>>
      %dma_start3A_852 = arith.constant 0 : i32
      %dma_start3A_853 = arith.constant 0 : i32
      %dma_start3A_854 = tpu.memref_slice %arg3[%dma_start3A_852, %dma_start3A_853] : memref<100000x128xf32, #tpu.memory_space<hbm>> -> memref<100000x128xf32, #tpu.memory_space<hbm>>
      %dma_start3A_855 = tpu.memref_slice %arg7[%dma_start3A_844] : memref<5x!tpu.dma_semaphore, #tpu.memory_space<semaphore_mem>> -> memref<1x!tpu.dma_semaphore, #tpu.memory_space<semaphore_mem>>
      %dma_start3A_856 = tpu.memref_squeeze %dma_start3A_855 : memref<1x!tpu.dma_semaphore, #tpu.memory_space<semaphore_mem>> -> memref<!tpu.dma_semaphore, #tpu.memory_space<semaphore_mem>>
      tpu.enqueue_indirect_dma source(%dma_start3A_854 : memref<100000x128xf32, #tpu.memory_space<hbm>>) target(%dma_start3A_848 : memref<128x128xf32, #tpu.memory_space<vmem>>) offsets(%dma_start3A_851 : memref<128xi32, #tpu.memory_space<vmem>>) semaphore(%dma_start3A_856 : memref<!tpu.dma_semaphore, #tpu.memory_space<semaphore_mem>>)
      %mul3A_857 = arith.constant 5 : i32
      %mul3A_858 = arith.muli %scan3A_705, %mul3A_857 : i32
      %add3A_859 = arith.constant 2 : i32
      %add3A_860 = arith.addi %mul3A_858, %add3A_859 : i32
      %dma_wait3A_861 = arith.constant 0 : i32
      %dma_wait3A_862 = arith.constant 2 : i32
      %dma_wait3A_863 = arith.constant 2 : i32
      %dma_wait3A_864 = arith.constant 0 : i32
      %dma_wait3A_865 = arith.constant 0 : i32
      %dma_wait3A_866 = tpu.memref_slice %arg6[%dma_wait3A_862, %dma_wait3A_864, %dma_wait3A_865] : memref<5x128x128xf32, #tpu.memory_space<vmem>> -> memref<1x128x128xf32, #tpu.memory_space<vmem>>
      %dma_wait3A_867 = tpu.memref_squeeze %dma_wait3A_866 : memref<1x128x128xf32, #tpu.memory_space<vmem>> -> memref<128x128xf32, #tpu.memory_space<vmem>>
      %dma_wait3A_868 = arith.constant 0 : i32
      %dma_wait3A_869 = tpu.memref_slice %arg5[%dma_wait3A_861, %dma_wait3A_868] : memref<200x128xi32, #tpu.memory_space<vmem>> -> memref<1x128xi32, #tpu.memory_space<vmem>>
      %dma_wait3A_870 = tpu.memref_squeeze %dma_wait3A_869 : memref<1x128xi32, #tpu.memory_space<vmem>> -> memref<128xi32, #tpu.memory_space<vmem>>
      %dma_wait3A_871 = arith.constant 0 : i32
      %dma_wait3A_872 = arith.constant 0 : i32
      %dma_wait3A_873 = tpu.memref_slice %arg3[%dma_wait3A_871, %dma_wait3A_872] : memref<100000x128xf32, #tpu.memory_space<hbm>> -> memref<100000x128xf32, #tpu.memory_space<hbm>>
      %dma_wait3A_874 = tpu.memref_slice %arg7[%dma_wait3A_863] : memref<5x!tpu.dma_semaphore, #tpu.memory_space<semaphore_mem>> -> memref<1x!tpu.dma_semaphore, #tpu.memory_space<semaphore_mem>>
      %dma_wait3A_875 = tpu.memref_squeeze %dma_wait3A_874 : memref<1x!tpu.dma_semaphore, #tpu.memory_space<semaphore_mem>> -> memref<!tpu.dma_semaphore, #tpu.memory_space<semaphore_mem>>
      tpu.wait_indirect_dma semaphore(%dma_wait3A_875 : memref<!tpu.dma_semaphore, #tpu.memory_space<semaphore_mem>>) src(%dma_wait3A_873 : memref<100000x128xf32, #tpu.memory_space<hbm>>) dst(%dma_wait3A_867 : memref<128x128xf32, #tpu.memory_space<vmem>>)
      %mul3A_876 = arith.constant 128 : i32
      %mul3A_877 = arith.muli %add3A_860, %mul3A_876 : i32
      %dma_start3A_878 = arith.constant 2 : i32
      %dma_start3A_879 = arith.constant 2 : i32
      %dma_start3A_880 = arith.constant 0 : i32
      %dma_start3A_881 = arith.constant 0 : i32
      %dma_start3A_882 = tpu.memref_slice %arg6[%dma_start3A_878, %dma_start3A_880, %dma_start3A_881] : memref<5x128x128xf32, #tpu.memory_space<vmem>> -> memref<1x128x128xf32, #tpu.memory_space<vmem>>
      %dma_start3A_883 = tpu.memref_squeeze %dma_start3A_882 : memref<1x128x128xf32, #tpu.memory_space<vmem>> -> memref<128x128xf32, #tpu.memory_space<vmem>>
      %dma_start3A_884 = arith.constant 0 : i32
      %dma_start3A_885 = tpu.memref_slice %arg4[%add3A, %mul3A_877, %dma_start3A_884] : memref<32x25600x128xf32, #tpu.memory_space<hbm>> -> memref<1x128x128xf32, #tpu.memory_space<hbm>>
      %dma_start3A_886 = tpu.memref_squeeze %dma_start3A_885 : memref<1x128x128xf32, #tpu.memory_space<hbm>> -> memref<128x128xf32, #tpu.memory_space<hbm>>
      %dma_start3A_887 = tpu.memref_slice %arg8[%dma_start3A_879] : memref<5x!tpu.dma_semaphore, #tpu.memory_space<semaphore_mem>> -> memref<1x!tpu.dma_semaphore, #tpu.memory_space<semaphore_mem>>
      %dma_start3A_888 = tpu.memref_squeeze %dma_start3A_887 : memref<1x!tpu.dma_semaphore, #tpu.memory_space<semaphore_mem>> -> memref<!tpu.dma_semaphore, #tpu.memory_space<semaphore_mem>>
      %dma_start3A_889 = arith.constant 0 : i32
      %dma_start3A_890 = tpu.memref_slice %arg4[%add3A, %mul3A_877, %dma_start3A_889] : memref<32x25600x128xf32, #tpu.memory_space<hbm>> -> memref<1x128x128xf32, #tpu.memory_space<hbm>>
      %dma_start3A_891 = tpu.memref_squeeze %dma_start3A_890 : memref<1x128x128xf32, #tpu.memory_space<hbm>> -> memref<128x128xf32, #tpu.memory_space<hbm>>
      %dma_start3A_892 = arith.constant 0 : i32
      %dma_start3A_893 = arith.constant 0 : i32
      %dma_start3A_894 = tpu.memref_slice %arg6[%dma_start3A_878, %dma_start3A_892, %dma_start3A_893] : memref<5x128x128xf32, #tpu.memory_space<vmem>> -> memref<1x128x128xf32, #tpu.memory_space<vmem>>
      %dma_start3A_895 = tpu.memref_squeeze %dma_start3A_894 : memref<1x128x128xf32, #tpu.memory_space<vmem>> -> memref<128x128xf32, #tpu.memory_space<vmem>>
      tpu.enqueue_dma source(%dma_start3A_895 : memref<128x128xf32, #tpu.memory_space<vmem>>) target(%dma_start3A_891 : memref<128x128xf32, #tpu.memory_space<hbm>>) target_semaphore(%dma_start3A_888 : memref<!tpu.dma_semaphore, #tpu.memory_space<semaphore_mem>>)
      %dma_wait3A_896 = arith.constant 0 : i32
      %dma_wait3A_897 = arith.constant 0 : i32
      %dma_wait3A_898 = arith.constant 0 : i32
      %dma_wait3A_899 = arith.constant 0 : i32
      %dma_wait3A_900 = tpu.memref_slice %arg6[%dma_wait3A_896, %dma_wait3A_898, %dma_wait3A_899] : memref<5x128x128xf32, #tpu.memory_space<vmem>> -> memref<1x128x128xf32, #tpu.memory_space<vmem>>
      %dma_wait3A_901 = tpu.memref_squeeze %dma_wait3A_900 : memref<1x128x128xf32, #tpu.memory_space<vmem>> -> memref<128x128xf32, #tpu.memory_space<vmem>>
      %dma_wait3A_902 = arith.constant 0 : i32
      %dma_wait3A_903 = arith.constant 0 : i32
      %dma_wait3A_904 = tpu.memref_slice %arg4[%add3A, %dma_wait3A_902, %dma_wait3A_903] : memref<32x25600x128xf32, #tpu.memory_space<hbm>> -> memref<1x128x128xf32, #tpu.memory_space<hbm>>
      %dma_wait3A_905 = tpu.memref_squeeze %dma_wait3A_904 : memref<1x128x128xf32, #tpu.memory_space<hbm>> -> memref<128x128xf32, #tpu.memory_space<hbm>>
      %dma_wait3A_906 = tpu.memref_slice %arg8[%dma_wait3A_897] : memref<5x!tpu.dma_semaphore, #tpu.memory_space<semaphore_mem>> -> memref<1x!tpu.dma_semaphore, #tpu.memory_space<semaphore_mem>>
      %dma_wait3A_907 = tpu.memref_squeeze %dma_wait3A_906 : memref<1x!tpu.dma_semaphore, #tpu.memory_space<semaphore_mem>> -> memref<!tpu.dma_semaphore, #tpu.memory_space<semaphore_mem>>
      %dma_wait3A_908 = arith.constant 0 : i32
      %dma_wait3A_909 = arith.constant 0 : i32
      %dma_wait3A_910 = tpu.memref_slice %arg4[%add3A, %dma_wait3A_908, %dma_wait3A_909] : memref<32x25600x128xf32, #tpu.memory_space<hbm>> -> memref<1x128x128xf32, #tpu.memory_space<hbm>>
      %dma_wait3A_911 = tpu.memref_squeeze %dma_wait3A_910 : memref<1x128x128xf32, #tpu.memory_space<hbm>> -> memref<128x128xf32, #tpu.memory_space<hbm>>
      %dma_wait3A_912 = arith.constant 0 : i32
      %dma_wait3A_913 = arith.constant 0 : i32
      %dma_wait3A_914 = tpu.memref_slice %arg6[%dma_wait3A_896, %dma_wait3A_912, %dma_wait3A_913] : memref<5x128x128xf32, #tpu.memory_space<vmem>> -> memref<1x128x128xf32, #tpu.memory_space<vmem>>
      %dma_wait3A_915 = tpu.memref_squeeze %dma_wait3A_914 : memref<1x128x128xf32, #tpu.memory_space<vmem>> -> memref<128x128xf32, #tpu.memory_space<vmem>>
      tpu.wait_dma2 semaphore(%dma_wait3A_907 : memref<!tpu.dma_semaphore, #tpu.memory_space<semaphore_mem>>) src(%dma_wait3A_915 : memref<128x128xf32, #tpu.memory_space<vmem>>) dst(%dma_wait3A_911 : memref<128x128xf32, #tpu.memory_space<hbm>>)
      %add3A_916 = arith.constant 3 : i32
      %add3A_917 = arith.addi %add3A_860, %add3A_916 : i32
      %dma_start3A_918 = arith.constant 0 : i32
      %dma_start3A_919 = arith.constant 0 : i32
      %dma_start3A_920 = arith.constant 0 : i32
      %dma_start3A_921 = arith.constant 0 : i32
      %dma_start3A_922 = tpu.memref_slice %arg6[%dma_start3A_918, %dma_start3A_920, %dma_start3A_921] : memref<5x128x128xf32, #tpu.memory_space<vmem>> -> memref<1x128x128xf32, #tpu.memory_space<vmem>>
      %dma_start3A_923 = tpu.memref_squeeze %dma_start3A_922 : memref<1x128x128xf32, #tpu.memory_space<vmem>> -> memref<128x128xf32, #tpu.memory_space<vmem>>
      %dma_start3A_924 = arith.constant 0 : i32
      %dma_start3A_925 = tpu.memref_slice %arg5[%add3A_917, %dma_start3A_924] : memref<200x128xi32, #tpu.memory_space<vmem>> -> memref<1x128xi32, #tpu.memory_space<vmem>>
      %dma_start3A_926 = tpu.memref_squeeze %dma_start3A_925 : memref<1x128xi32, #tpu.memory_space<vmem>> -> memref<128xi32, #tpu.memory_space<vmem>>
      %dma_start3A_927 = arith.constant 0 : i32
      %dma_start3A_928 = arith.constant 0 : i32
      %dma_start3A_929 = tpu.memref_slice %arg3[%dma_start3A_927, %dma_start3A_928] : memref<100000x128xf32, #tpu.memory_space<hbm>> -> memref<100000x128xf32, #tpu.memory_space<hbm>>
      %dma_start3A_930 = tpu.memref_slice %arg7[%dma_start3A_919] : memref<5x!tpu.dma_semaphore, #tpu.memory_space<semaphore_mem>> -> memref<1x!tpu.dma_semaphore, #tpu.memory_space<semaphore_mem>>
      %dma_start3A_931 = tpu.memref_squeeze %dma_start3A_930 : memref<1x!tpu.dma_semaphore, #tpu.memory_space<semaphore_mem>> -> memref<!tpu.dma_semaphore, #tpu.memory_space<semaphore_mem>>
      tpu.enqueue_indirect_dma source(%dma_start3A_929 : memref<100000x128xf32, #tpu.memory_space<hbm>>) target(%dma_start3A_923 : memref<128x128xf32, #tpu.memory_space<vmem>>) offsets(%dma_start3A_926 : memref<128xi32, #tpu.memory_space<vmem>>) semaphore(%dma_start3A_931 : memref<!tpu.dma_semaphore, #tpu.memory_space<semaphore_mem>>)
      %mul3A_932 = arith.constant 5 : i32
      %mul3A_933 = arith.muli %scan3A_705, %mul3A_932 : i32
      %add3A_934 = arith.constant 3 : i32
      %add3A_935 = arith.addi %mul3A_933, %add3A_934 : i32
      %dma_wait3A_936 = arith.constant 0 : i32
      %dma_wait3A_937 = arith.constant 3 : i32
      %dma_wait3A_938 = arith.constant 3 : i32
      %dma_wait3A_939 = arith.constant 0 : i32
      %dma_wait3A_940 = arith.constant 0 : i32
      %dma_wait3A_941 = tpu.memref_slice %arg6[%dma_wait3A_937, %dma_wait3A_939, %dma_wait3A_940] : memref<5x128x128xf32, #tpu.memory_space<vmem>> -> memref<1x128x128xf32, #tpu.memory_space<vmem>>
      %dma_wait3A_942 = tpu.memref_squeeze %dma_wait3A_941 : memref<1x128x128xf32, #tpu.memory_space<vmem>> -> memref<128x128xf32, #tpu.memory_space<vmem>>
      %dma_wait3A_943 = arith.constant 0 : i32
      %dma_wait3A_944 = tpu.memref_slice %arg5[%dma_wait3A_936, %dma_wait3A_943] : memref<200x128xi32, #tpu.memory_space<vmem>> -> memref<1x128xi32, #tpu.memory_space<vmem>>
      %dma_wait3A_945 = tpu.memref_squeeze %dma_wait3A_944 : memref<1x128xi32, #tpu.memory_space<vmem>> -> memref<128xi32, #tpu.memory_space<vmem>>
      %dma_wait3A_946 = arith.constant 0 : i32
      %dma_wait3A_947 = arith.constant 0 : i32
      %dma_wait3A_948 = tpu.memref_slice %arg3[%dma_wait3A_946, %dma_wait3A_947] : memref<100000x128xf32, #tpu.memory_space<hbm>> -> memref<100000x128xf32, #tpu.memory_space<hbm>>
      %dma_wait3A_949 = tpu.memref_slice %arg7[%dma_wait3A_938] : memref<5x!tpu.dma_semaphore, #tpu.memory_space<semaphore_mem>> -> memref<1x!tpu.dma_semaphore, #tpu.memory_space<semaphore_mem>>
      %dma_wait3A_950 = tpu.memref_squeeze %dma_wait3A_949 : memref<1x!tpu.dma_semaphore, #tpu.memory_space<semaphore_mem>> -> memref<!tpu.dma_semaphore, #tpu.memory_space<semaphore_mem>>
      tpu.wait_indirect_dma semaphore(%dma_wait3A_950 : memref<!tpu.dma_semaphore, #tpu.memory_space<semaphore_mem>>) src(%dma_wait3A_948 : memref<100000x128xf32, #tpu.memory_space<hbm>>) dst(%dma_wait3A_942 : memref<128x128xf32, #tpu.memory_space<vmem>>)
      %mul3A_951 = arith.constant 128 : i32
      %mul3A_952 = arith.muli %add3A_935, %mul3A_951 : i32
      %dma_start3A_953 = arith.constant 3 : i32
      %dma_start3A_954 = arith.constant 3 : i32
      %dma_start3A_955 = arith.constant 0 : i32
      %dma_start3A_956 = arith.constant 0 : i32
      %dma_start3A_957 = tpu.memref_slice %arg6[%dma_start3A_953, %dma_start3A_955, %dma_start3A_956] : memref<5x128x128xf32, #tpu.memory_space<vmem>> -> memref<1x128x128xf32, #tpu.memory_space<vmem>>
      %dma_start3A_958 = tpu.memref_squeeze %dma_start3A_957 : memref<1x128x128xf32, #tpu.memory_space<vmem>> -> memref<128x128xf32, #tpu.memory_space<vmem>>
      %dma_start3A_959 = arith.constant 0 : i32
      %dma_start3A_960 = tpu.memref_slice %arg4[%add3A, %mul3A_952, %dma_start3A_959] : memref<32x25600x128xf32, #tpu.memory_space<hbm>> -> memref<1x128x128xf32, #tpu.memory_space<hbm>>
      %dma_start3A_961 = tpu.memref_squeeze %dma_start3A_960 : memref<1x128x128xf32, #tpu.memory_space<hbm>> -> memref<128x128xf32, #tpu.memory_space<hbm>>
      %dma_start3A_962 = tpu.memref_slice %arg8[%dma_start3A_954] : memref<5x!tpu.dma_semaphore, #tpu.memory_space<semaphore_mem>> -> memref<1x!tpu.dma_semaphore, #tpu.memory_space<semaphore_mem>>
      %dma_start3A_963 = tpu.memref_squeeze %dma_start3A_962 : memref<1x!tpu.dma_semaphore, #tpu.memory_space<semaphore_mem>> -> memref<!tpu.dma_semaphore, #tpu.memory_space<semaphore_mem>>
      %dma_start3A_964 = arith.constant 0 : i32
      %dma_start3A_965 = tpu.memref_slice %arg4[%add3A, %mul3A_952, %dma_start3A_964] : memref<32x25600x128xf32, #tpu.memory_space<hbm>> -> memref<1x128x128xf32, #tpu.memory_space<hbm>>
      %dma_start3A_966 = tpu.memref_squeeze %dma_start3A_965 : memref<1x128x128xf32, #tpu.memory_space<hbm>> -> memref<128x128xf32, #tpu.memory_space<hbm>>
      %dma_start3A_967 = arith.constant 0 : i32
      %dma_start3A_968 = arith.constant 0 : i32
      %dma_start3A_969 = tpu.memref_slice %arg6[%dma_start3A_953, %dma_start3A_967, %dma_start3A_968] : memref<5x128x128xf32, #tpu.memory_space<vmem>> -> memref<1x128x128xf32, #tpu.memory_space<vmem>>
      %dma_start3A_970 = tpu.memref_squeeze %dma_start3A_969 : memref<1x128x128xf32, #tpu.memory_space<vmem>> -> memref<128x128xf32, #tpu.memory_space<vmem>>
      tpu.enqueue_dma source(%dma_start3A_970 : memref<128x128xf32, #tpu.memory_space<vmem>>) target(%dma_start3A_966 : memref<128x128xf32, #tpu.memory_space<hbm>>) target_semaphore(%dma_start3A_963 : memref<!tpu.dma_semaphore, #tpu.memory_space<semaphore_mem>>)
      %dma_wait3A_971 = arith.constant 1 : i32
      %dma_wait3A_972 = arith.constant 1 : i32
      %dma_wait3A_973 = arith.constant 0 : i32
      %dma_wait3A_974 = arith.constant 0 : i32
      %dma_wait3A_975 = tpu.memref_slice %arg6[%dma_wait3A_971, %dma_wait3A_973, %dma_wait3A_974] : memref<5x128x128xf32, #tpu.memory_space<vmem>> -> memref<1x128x128xf32, #tpu.memory_space<vmem>>
      %dma_wait3A_976 = tpu.memref_squeeze %dma_wait3A_975 : memref<1x128x128xf32, #tpu.memory_space<vmem>> -> memref<128x128xf32, #tpu.memory_space<vmem>>
      %dma_wait3A_977 = arith.constant 0 : i32
      %dma_wait3A_978 = arith.constant 0 : i32
      %dma_wait3A_979 = tpu.memref_slice %arg4[%add3A, %dma_wait3A_977, %dma_wait3A_978] : memref<32x25600x128xf32, #tpu.memory_space<hbm>> -> memref<1x128x128xf32, #tpu.memory_space<hbm>>
      %dma_wait3A_980 = tpu.memref_squeeze %dma_wait3A_979 : memref<1x128x128xf32, #tpu.memory_space<hbm>> -> memref<128x128xf32, #tpu.memory_space<hbm>>
      %dma_wait3A_981 = tpu.memref_slice %arg8[%dma_wait3A_972] : memref<5x!tpu.dma_semaphore, #tpu.memory_space<semaphore_mem>> -> memref<1x!tpu.dma_semaphore, #tpu.memory_space<semaphore_mem>>
      %dma_wait3A_982 = tpu.memref_squeeze %dma_wait3A_981 : memref<1x!tpu.dma_semaphore, #tpu.memory_space<semaphore_mem>> -> memref<!tpu.dma_semaphore, #tpu.memory_space<semaphore_mem>>
      %dma_wait3A_983 = arith.constant 0 : i32
      %dma_wait3A_984 = arith.constant 0 : i32
      %dma_wait3A_985 = tpu.memref_slice %arg4[%add3A, %dma_wait3A_983, %dma_wait3A_984] : memref<32x25600x128xf32, #tpu.memory_space<hbm>> -> memref<1x128x128xf32, #tpu.memory_space<hbm>>
      %dma_wait3A_986 = tpu.memref_squeeze %dma_wait3A_985 : memref<1x128x128xf32, #tpu.memory_space<hbm>> -> memref<128x128xf32, #tpu.memory_space<hbm>>
      %dma_wait3A_987 = arith.constant 0 : i32
      %dma_wait3A_988 = arith.constant 0 : i32
      %dma_wait3A_989 = tpu.memref_slice %arg6[%dma_wait3A_971, %dma_wait3A_987, %dma_wait3A_988] : memref<5x128x128xf32, #tpu.memory_space<vmem>> -> memref<1x128x128xf32, #tpu.memory_space<vmem>>
      %dma_wait3A_990 = tpu.memref_squeeze %dma_wait3A_989 : memref<1x128x128xf32, #tpu.memory_space<vmem>> -> memref<128x128xf32, #tpu.memory_space<vmem>>
      tpu.wait_dma2 semaphore(%dma_wait3A_982 : memref<!tpu.dma_semaphore, #tpu.memory_space<semaphore_mem>>) src(%dma_wait3A_990 : memref<128x128xf32, #tpu.memory_space<vmem>>) dst(%dma_wait3A_986 : memref<128x128xf32, #tpu.memory_space<hbm>>)
      %add3A_991 = arith.constant 3 : i32
      %add3A_992 = arith.addi %add3A_935, %add3A_991 : i32
      %dma_start3A_993 = arith.constant 1 : i32
      %dma_start3A_994 = arith.constant 1 : i32
      %dma_start3A_995 = arith.constant 0 : i32
      %dma_start3A_996 = arith.constant 0 : i32
      %dma_start3A_997 = tpu.memref_slice %arg6[%dma_start3A_993, %dma_start3A_995, %dma_start3A_996] : memref<5x128x128xf32, #tpu.memory_space<vmem>> -> memref<1x128x128xf32, #tpu.memory_space<vmem>>
      %dma_start3A_998 = tpu.memref_squeeze %dma_start3A_997 : memref<1x128x128xf32, #tpu.memory_space<vmem>> -> memref<128x128xf32, #tpu.memory_space<vmem>>
      %dma_start3A_999 = arith.constant 0 : i32
      %dma_start3A_1000 = tpu.memref_slice %arg5[%add3A_992, %dma_start3A_999] : memref<200x128xi32, #tpu.memory_space<vmem>> -> memref<1x128xi32, #tpu.memory_space<vmem>>
      %dma_start3A_1001 = tpu.memref_squeeze %dma_start3A_1000 : memref<1x128xi32, #tpu.memory_space<vmem>> -> memref<128xi32, #tpu.memory_space<vmem>>
      %dma_start3A_1002 = arith.constant 0 : i32
      %dma_start3A_1003 = arith.constant 0 : i32
      %dma_start3A_1004 = tpu.memref_slice %arg3[%dma_start3A_1002, %dma_start3A_1003] : memref<100000x128xf32, #tpu.memory_space<hbm>> -> memref<100000x128xf32, #tpu.memory_space<hbm>>
      %dma_start3A_1005 = tpu.memref_slice %arg7[%dma_start3A_994] : memref<5x!tpu.dma_semaphore, #tpu.memory_space<semaphore_mem>> -> memref<1x!tpu.dma_semaphore, #tpu.memory_space<semaphore_mem>>
      %dma_start3A_1006 = tpu.memref_squeeze %dma_start3A_1005 : memref<1x!tpu.dma_semaphore, #tpu.memory_space<semaphore_mem>> -> memref<!tpu.dma_semaphore, #tpu.memory_space<semaphore_mem>>
      tpu.enqueue_indirect_dma source(%dma_start3A_1004 : memref<100000x128xf32, #tpu.memory_space<hbm>>) target(%dma_start3A_998 : memref<128x128xf32, #tpu.memory_space<vmem>>) offsets(%dma_start3A_1001 : memref<128xi32, #tpu.memory_space<vmem>>) semaphore(%dma_start3A_1006 : memref<!tpu.dma_semaphore, #tpu.memory_space<semaphore_mem>>)
      %mul3A_1007 = arith.constant 5 : i32
      %mul3A_1008 = arith.muli %scan3A_705, %mul3A_1007 : i32
      %add3A_1009 = arith.constant 4 : i32
      %add3A_1010 = arith.addi %mul3A_1008, %add3A_1009 : i32
      %dma_wait3A_1011 = arith.constant 0 : i32
      %dma_wait3A_1012 = arith.constant 4 : i32
      %dma_wait3A_1013 = arith.constant 4 : i32
      %dma_wait3A_1014 = arith.constant 0 : i32
      %dma_wait3A_1015 = arith.constant 0 : i32
      %dma_wait3A_1016 = tpu.memref_slice %arg6[%dma_wait3A_1012, %dma_wait3A_1014, %dma_wait3A_1015] : memref<5x128x128xf32, #tpu.memory_space<vmem>> -> memref<1x128x128xf32, #tpu.memory_space<vmem>>
      %dma_wait3A_1017 = tpu.memref_squeeze %dma_wait3A_1016 : memref<1x128x128xf32, #tpu.memory_space<vmem>> -> memref<128x128xf32, #tpu.memory_space<vmem>>
      %dma_wait3A_1018 = arith.constant 0 : i32
      %dma_wait3A_1019 = tpu.memref_slice %arg5[%dma_wait3A_1011, %dma_wait3A_1018] : memref<200x128xi32, #tpu.memory_space<vmem>> -> memref<1x128xi32, #tpu.memory_space<vmem>>
      %dma_wait3A_1020 = tpu.memref_squeeze %dma_wait3A_1019 : memref<1x128xi32, #tpu.memory_space<vmem>> -> memref<128xi32, #tpu.memory_space<vmem>>
      %dma_wait3A_1021 = arith.constant 0 : i32
      %dma_wait3A_1022 = arith.constant 0 : i32
      %dma_wait3A_1023 = tpu.memref_slice %arg3[%dma_wait3A_1021, %dma_wait3A_1022] : memref<100000x128xf32, #tpu.memory_space<hbm>> -> memref<100000x128xf32, #tpu.memory_space<hbm>>
      %dma_wait3A_1024 = tpu.memref_slice %arg7[%dma_wait3A_1013] : memref<5x!tpu.dma_semaphore, #tpu.memory_space<semaphore_mem>> -> memref<1x!tpu.dma_semaphore, #tpu.memory_space<semaphore_mem>>
      %dma_wait3A_1025 = tpu.memref_squeeze %dma_wait3A_1024 : memref<1x!tpu.dma_semaphore, #tpu.memory_space<semaphore_mem>> -> memref<!tpu.dma_semaphore, #tpu.memory_space<semaphore_mem>>
      tpu.wait_indirect_dma semaphore(%dma_wait3A_1025 : memref<!tpu.dma_semaphore, #tpu.memory_space<semaphore_mem>>) src(%dma_wait3A_1023 : memref<100000x128xf32, #tpu.memory_space<hbm>>) dst(%dma_wait3A_1017 : memref<128x128xf32, #tpu.memory_space<vmem>>)
      %mul3A_1026 = arith.constant 128 : i32
      %mul3A_1027 = arith.muli %add3A_1010, %mul3A_1026 : i32
      %dma_start3A_1028 = arith.constant 4 : i32
      %dma_start3A_1029 = arith.constant 4 : i32
      %dma_start3A_1030 = arith.constant 0 : i32
      %dma_start3A_1031 = arith.constant 0 : i32
      %dma_start3A_1032 = tpu.memref_slice %arg6[%dma_start3A_1028, %dma_start3A_1030, %dma_start3A_1031] : memref<5x128x128xf32, #tpu.memory_space<vmem>> -> memref<1x128x128xf32, #tpu.memory_space<vmem>>
      %dma_start3A_1033 = tpu.memref_squeeze %dma_start3A_1032 : memref<1x128x128xf32, #tpu.memory_space<vmem>> -> memref<128x128xf32, #tpu.memory_space<vmem>>
      %dma_start3A_1034 = arith.constant 0 : i32
      %dma_start3A_1035 = tpu.memref_slice %arg4[%add3A, %mul3A_1027, %dma_start3A_1034] : memref<32x25600x128xf32, #tpu.memory_space<hbm>> -> memref<1x128x128xf32, #tpu.memory_space<hbm>>
      %dma_start3A_1036 = tpu.memref_squeeze %dma_start3A_1035 : memref<1x128x128xf32, #tpu.memory_space<hbm>> -> memref<128x128xf32, #tpu.memory_space<hbm>>
      %dma_start3A_1037 = tpu.memref_slice %arg8[%dma_start3A_1029] : memref<5x!tpu.dma_semaphore, #tpu.memory_space<semaphore_mem>> -> memref<1x!tpu.dma_semaphore, #tpu.memory_space<semaphore_mem>>
      %dma_start3A_1038 = tpu.memref_squeeze %dma_start3A_1037 : memref<1x!tpu.dma_semaphore, #tpu.memory_space<semaphore_mem>> -> memref<!tpu.dma_semaphore, #tpu.memory_space<semaphore_mem>>
      %dma_start3A_1039 = arith.constant 0 : i32
      %dma_start3A_1040 = tpu.memref_slice %arg4[%add3A, %mul3A_1027, %dma_start3A_1039] : memref<32x25600x128xf32, #tpu.memory_space<hbm>> -> memref<1x128x128xf32, #tpu.memory_space<hbm>>
      %dma_start3A_1041 = tpu.memref_squeeze %dma_start3A_1040 : memref<1x128x128xf32, #tpu.memory_space<hbm>> -> memref<128x128xf32, #tpu.memory_space<hbm>>
      %dma_start3A_1042 = arith.constant 0 : i32
      %dma_start3A_1043 = arith.constant 0 : i32
      %dma_start3A_1044 = tpu.memref_slice %arg6[%dma_start3A_1028, %dma_start3A_1042, %dma_start3A_1043] : memref<5x128x128xf32, #tpu.memory_space<vmem>> -> memref<1x128x128xf32, #tpu.memory_space<vmem>>
      %dma_start3A_1045 = tpu.memref_squeeze %dma_start3A_1044 : memref<1x128x128xf32, #tpu.memory_space<vmem>> -> memref<128x128xf32, #tpu.memory_space<vmem>>
      tpu.enqueue_dma source(%dma_start3A_1045 : memref<128x128xf32, #tpu.memory_space<vmem>>) target(%dma_start3A_1041 : memref<128x128xf32, #tpu.memory_space<hbm>>) target_semaphore(%dma_start3A_1038 : memref<!tpu.dma_semaphore, #tpu.memory_space<semaphore_mem>>)
      %dma_wait3A_1046 = arith.constant 2 : i32
      %dma_wait3A_1047 = arith.constant 2 : i32
      %dma_wait3A_1048 = arith.constant 0 : i32
      %dma_wait3A_1049 = arith.constant 0 : i32
      %dma_wait3A_1050 = tpu.memref_slice %arg6[%dma_wait3A_1046, %dma_wait3A_1048, %dma_wait3A_1049] : memref<5x128x128xf32, #tpu.memory_space<vmem>> -> memref<1x128x128xf32, #tpu.memory_space<vmem>>
      %dma_wait3A_1051 = tpu.memref_squeeze %dma_wait3A_1050 : memref<1x128x128xf32, #tpu.memory_space<vmem>> -> memref<128x128xf32, #tpu.memory_space<vmem>>
      %dma_wait3A_1052 = arith.constant 0 : i32
      %dma_wait3A_1053 = arith.constant 0 : i32
      %dma_wait3A_1054 = tpu.memref_slice %arg4[%add3A, %dma_wait3A_1052, %dma_wait3A_1053] : memref<32x25600x128xf32, #tpu.memory_space<hbm>> -> memref<1x128x128xf32, #tpu.memory_space<hbm>>
      %dma_wait3A_1055 = tpu.memref_squeeze %dma_wait3A_1054 : memref<1x128x128xf32, #tpu.memory_space<hbm>> -> memref<128x128xf32, #tpu.memory_space<hbm>>
      %dma_wait3A_1056 = tpu.memref_slice %arg8[%dma_wait3A_1047] : memref<5x!tpu.dma_semaphore, #tpu.memory_space<semaphore_mem>> -> memref<1x!tpu.dma_semaphore, #tpu.memory_space<semaphore_mem>>
      %dma_wait3A_1057 = tpu.memref_squeeze %dma_wait3A_1056 : memref<1x!tpu.dma_semaphore, #tpu.memory_space<semaphore_mem>> -> memref<!tpu.dma_semaphore, #tpu.memory_space<semaphore_mem>>
      %dma_wait3A_1058 = arith.constant 0 : i32
      %dma_wait3A_1059 = arith.constant 0 : i32
      %dma_wait3A_1060 = tpu.memref_slice %arg4[%add3A, %dma_wait3A_1058, %dma_wait3A_1059] : memref<32x25600x128xf32, #tpu.memory_space<hbm>> -> memref<1x128x128xf32, #tpu.memory_space<hbm>>
      %dma_wait3A_1061 = tpu.memref_squeeze %dma_wait3A_1060 : memref<1x128x128xf32, #tpu.memory_space<hbm>> -> memref<128x128xf32, #tpu.memory_space<hbm>>
      %dma_wait3A_1062 = arith.constant 0 : i32
      %dma_wait3A_1063 = arith.constant 0 : i32
      %dma_wait3A_1064 = tpu.memref_slice %arg6[%dma_wait3A_1046, %dma_wait3A_1062, %dma_wait3A_1063] : memref<5x128x128xf32, #tpu.memory_space<vmem>> -> memref<1x128x128xf32, #tpu.memory_space<vmem>>
      %dma_wait3A_1065 = tpu.memref_squeeze %dma_wait3A_1064 : memref<1x128x128xf32, #tpu.memory_space<vmem>> -> memref<128x128xf32, #tpu.memory_space<vmem>>
      tpu.wait_dma2 semaphore(%dma_wait3A_1057 : memref<!tpu.dma_semaphore, #tpu.memory_space<semaphore_mem>>) src(%dma_wait3A_1065 : memref<128x128xf32, #tpu.memory_space<vmem>>) dst(%dma_wait3A_1061 : memref<128x128xf32, #tpu.memory_space<hbm>>)
      %add3A_1066 = arith.constant 3 : i32
      %add3A_1067 = arith.addi %add3A_1010, %add3A_1066 : i32
      %dma_start3A_1068 = arith.constant 2 : i32
      %dma_start3A_1069 = arith.constant 2 : i32
      %dma_start3A_1070 = arith.constant 0 : i32
      %dma_start3A_1071 = arith.constant 0 : i32
      %dma_start3A_1072 = tpu.memref_slice %arg6[%dma_start3A_1068, %dma_start3A_1070, %dma_start3A_1071] : memref<5x128x128xf32, #tpu.memory_space<vmem>> -> memref<1x128x128xf32, #tpu.memory_space<vmem>>
      %dma_start3A_1073 = tpu.memref_squeeze %dma_start3A_1072 : memref<1x128x128xf32, #tpu.memory_space<vmem>> -> memref<128x128xf32, #tpu.memory_space<vmem>>
      %dma_start3A_1074 = arith.constant 0 : i32
      %dma_start3A_1075 = tpu.memref_slice %arg5[%add3A_1067, %dma_start3A_1074] : memref<200x128xi32, #tpu.memory_space<vmem>> -> memref<1x128xi32, #tpu.memory_space<vmem>>
      %dma_start3A_1076 = tpu.memref_squeeze %dma_start3A_1075 : memref<1x128xi32, #tpu.memory_space<vmem>> -> memref<128xi32, #tpu.memory_space<vmem>>
      %dma_start3A_1077 = arith.constant 0 : i32
      %dma_start3A_1078 = arith.constant 0 : i32
      %dma_start3A_1079 = tpu.memref_slice %arg3[%dma_start3A_1077, %dma_start3A_1078] : memref<100000x128xf32, #tpu.memory_space<hbm>> -> memref<100000x128xf32, #tpu.memory_space<hbm>>
      %dma_start3A_1080 = tpu.memref_slice %arg7[%dma_start3A_1069] : memref<5x!tpu.dma_semaphore, #tpu.memory_space<semaphore_mem>> -> memref<1x!tpu.dma_semaphore, #tpu.memory_space<semaphore_mem>>
      %dma_start3A_1081 = tpu.memref_squeeze %dma_start3A_1080 : memref<1x!tpu.dma_semaphore, #tpu.memory_space<semaphore_mem>> -> memref<!tpu.dma_semaphore, #tpu.memory_space<semaphore_mem>>
      tpu.enqueue_indirect_dma source(%dma_start3A_1079 : memref<100000x128xf32, #tpu.memory_space<hbm>>) target(%dma_start3A_1073 : memref<128x128xf32, #tpu.memory_space<vmem>>) offsets(%dma_start3A_1076 : memref<128xi32, #tpu.memory_space<vmem>>) semaphore(%dma_start3A_1081 : memref<!tpu.dma_semaphore, #tpu.memory_space<semaphore_mem>>)
      %scan3A_1082 = arith.constant 0 : i32
      scf.yield %scan3A_1082 : i32
    }
    %scan3A_359 = arith.constant 38 : i32
    %dma_wait3A_360 = arith.constant 0 : i32
    %dma_wait3A_361 = arith.constant 0 : i32
    %dma_wait3A_362 = arith.constant 0 : i32
    %dma_wait3A_363 = arith.constant 0 : i32
    %dma_wait3A_364 = arith.constant 0 : i32
    %dma_wait3A_365 = tpu.memref_slice %arg6[%dma_wait3A_361, %dma_wait3A_363, %dma_wait3A_364] : memref<5x128x128xf32, #tpu.memory_space<vmem>> -> memref<1x128x128xf32, #tpu.memory_space<vmem>>
    %dma_wait3A_366 = tpu.memref_squeeze %dma_wait3A_365 : memref<1x128x128xf32, #tpu.memory_space<vmem>> -> memref<128x128xf32, #tpu.memory_space<vmem>>
    %dma_wait3A_367 = arith.constant 0 : i32
    %dma_wait3A_368 = tpu.memref_slice %arg5[%dma_wait3A_360, %dma_wait3A_367] : memref<200x128xi32, #tpu.memory_space<vmem>> -> memref<1x128xi32, #tpu.memory_space<vmem>>
    %dma_wait3A_369 = tpu.memref_squeeze %dma_wait3A_368 : memref<1x128xi32, #tpu.memory_space<vmem>> -> memref<128xi32, #tpu.memory_space<vmem>>
    %dma_wait3A_370 = arith.constant 0 : i32
    %dma_wait3A_371 = arith.constant 0 : i32
    %dma_wait3A_372 = tpu.memref_slice %arg3[%dma_wait3A_370, %dma_wait3A_371] : memref<100000x128xf32, #tpu.memory_space<hbm>> -> memref<100000x128xf32, #tpu.memory_space<hbm>>
    %dma_wait3A_373 = tpu.memref_slice %arg7[%dma_wait3A_362] : memref<5x!tpu.dma_semaphore, #tpu.memory_space<semaphore_mem>> -> memref<1x!tpu.dma_semaphore, #tpu.memory_space<semaphore_mem>>
    %dma_wait3A_374 = tpu.memref_squeeze %dma_wait3A_373 : memref<1x!tpu.dma_semaphore, #tpu.memory_space<semaphore_mem>> -> memref<!tpu.dma_semaphore, #tpu.memory_space<semaphore_mem>>
    tpu.wait_indirect_dma semaphore(%dma_wait3A_374 : memref<!tpu.dma_semaphore, #tpu.memory_space<semaphore_mem>>) src(%dma_wait3A_372 : memref<100000x128xf32, #tpu.memory_space<hbm>>) dst(%dma_wait3A_366 : memref<128x128xf32, #tpu.memory_space<vmem>>)
    %dma_start3A_375 = arith.constant 0 : i32
    %dma_start3A_376 = arith.constant 0 : i32
    %dma_start3A_377 = arith.constant 0 : i32
    %dma_start3A_378 = arith.constant 0 : i32
    %dma_start3A_379 = tpu.memref_slice %arg6[%dma_start3A_375, %dma_start3A_377, %dma_start3A_378] : memref<5x128x128xf32, #tpu.memory_space<vmem>> -> memref<1x128x128xf32, #tpu.memory_space<vmem>>
    %dma_start3A_380 = tpu.memref_squeeze %dma_start3A_379 : memref<1x128x128xf32, #tpu.memory_space<vmem>> -> memref<128x128xf32, #tpu.memory_space<vmem>>
    %dma_start3A_381 = arith.constant 24960 : i32
    %dma_start3A_382 = arith.constant 0 : i32
    %dma_start3A_383 = tpu.memref_slice %arg4[%add3A, %dma_start3A_381, %dma_start3A_382] : memref<32x25600x128xf32, #tpu.memory_space<hbm>> -> memref<1x128x128xf32, #tpu.memory_space<hbm>>
    %dma_start3A_384 = tpu.memref_squeeze %dma_start3A_383 : memref<1x128x128xf32, #tpu.memory_space<hbm>> -> memref<128x128xf32, #tpu.memory_space<hbm>>
    %dma_start3A_385 = tpu.memref_slice %arg8[%dma_start3A_376] : memref<5x!tpu.dma_semaphore, #tpu.memory_space<semaphore_mem>> -> memref<1x!tpu.dma_semaphore, #tpu.memory_space<semaphore_mem>>
    %dma_start3A_386 = tpu.memref_squeeze %dma_start3A_385 : memref<1x!tpu.dma_semaphore, #tpu.memory_space<semaphore_mem>> -> memref<!tpu.dma_semaphore, #tpu.memory_space<semaphore_mem>>
    %dma_start3A_387 = arith.constant 24960 : i32
    %dma_start3A_388 = arith.constant 0 : i32
    %dma_start3A_389 = tpu.memref_slice %arg4[%add3A, %dma_start3A_387, %dma_start3A_388] : memref<32x25600x128xf32, #tpu.memory_space<hbm>> -> memref<1x128x128xf32, #tpu.memory_space<hbm>>
    %dma_start3A_390 = tpu.memref_squeeze %dma_start3A_389 : memref<1x128x128xf32, #tpu.memory_space<hbm>> -> memref<128x128xf32, #tpu.memory_space<hbm>>
    %dma_start3A_391 = arith.constant 0 : i32
    %dma_start3A_392 = arith.constant 0 : i32
    %dma_start3A_393 = tpu.memref_slice %arg6[%dma_start3A_375, %dma_start3A_391, %dma_start3A_392] : memref<5x128x128xf32, #tpu.memory_space<vmem>> -> memref<1x128x128xf32, #tpu.memory_space<vmem>>
    %dma_start3A_394 = tpu.memref_squeeze %dma_start3A_393 : memref<1x128x128xf32, #tpu.memory_space<vmem>> -> memref<128x128xf32, #tpu.memory_space<vmem>>
    tpu.enqueue_dma source(%dma_start3A_394 : memref<128x128xf32, #tpu.memory_space<vmem>>) target(%dma_start3A_390 : memref<128x128xf32, #tpu.memory_space<hbm>>) target_semaphore(%dma_start3A_386 : memref<!tpu.dma_semaphore, #tpu.memory_space<semaphore_mem>>)
    %dma_wait3A_395 = arith.constant 3 : i32
    %dma_wait3A_396 = arith.constant 3 : i32
    %dma_wait3A_397 = arith.constant 0 : i32
    %dma_wait3A_398 = arith.constant 0 : i32
    %dma_wait3A_399 = tpu.memref_slice %arg6[%dma_wait3A_395, %dma_wait3A_397, %dma_wait3A_398] : memref<5x128x128xf32, #tpu.memory_space<vmem>> -> memref<1x128x128xf32, #tpu.memory_space<vmem>>
    %dma_wait3A_400 = tpu.memref_squeeze %dma_wait3A_399 : memref<1x128x128xf32, #tpu.memory_space<vmem>> -> memref<128x128xf32, #tpu.memory_space<vmem>>
    %dma_wait3A_401 = arith.constant 0 : i32
    %dma_wait3A_402 = arith.constant 0 : i32
    %dma_wait3A_403 = tpu.memref_slice %arg4[%add3A, %dma_wait3A_401, %dma_wait3A_402] : memref<32x25600x128xf32, #tpu.memory_space<hbm>> -> memref<1x128x128xf32, #tpu.memory_space<hbm>>
    %dma_wait3A_404 = tpu.memref_squeeze %dma_wait3A_403 : memref<1x128x128xf32, #tpu.memory_space<hbm>> -> memref<128x128xf32, #tpu.memory_space<hbm>>
    %dma_wait3A_405 = tpu.memref_slice %arg8[%dma_wait3A_396] : memref<5x!tpu.dma_semaphore, #tpu.memory_space<semaphore_mem>> -> memref<1x!tpu.dma_semaphore, #tpu.memory_space<semaphore_mem>>
    %dma_wait3A_406 = tpu.memref_squeeze %dma_wait3A_405 : memref<1x!tpu.dma_semaphore, #tpu.memory_space<semaphore_mem>> -> memref<!tpu.dma_semaphore, #tpu.memory_space<semaphore_mem>>
    %dma_wait3A_407 = arith.constant 0 : i32
    %dma_wait3A_408 = arith.constant 0 : i32
    %dma_wait3A_409 = tpu.memref_slice %arg4[%add3A, %dma_wait3A_407, %dma_wait3A_408] : memref<32x25600x128xf32, #tpu.memory_space<hbm>> -> memref<1x128x128xf32, #tpu.memory_space<hbm>>
    %dma_wait3A_410 = tpu.memref_squeeze %dma_wait3A_409 : memref<1x128x128xf32, #tpu.memory_space<hbm>> -> memref<128x128xf32, #tpu.memory_space<hbm>>
    %dma_wait3A_411 = arith.constant 0 : i32
    %dma_wait3A_412 = arith.constant 0 : i32
    %dma_wait3A_413 = tpu.memref_slice %arg6[%dma_wait3A_395, %dma_wait3A_411, %dma_wait3A_412] : memref<5x128x128xf32, #tpu.memory_space<vmem>> -> memref<1x128x128xf32, #tpu.memory_space<vmem>>
    %dma_wait3A_414 = tpu.memref_squeeze %dma_wait3A_413 : memref<1x128x128xf32, #tpu.memory_space<vmem>> -> memref<128x128xf32, #tpu.memory_space<vmem>>
    tpu.wait_dma2 semaphore(%dma_wait3A_406 : memref<!tpu.dma_semaphore, #tpu.memory_space<semaphore_mem>>) src(%dma_wait3A_414 : memref<128x128xf32, #tpu.memory_space<vmem>>) dst(%dma_wait3A_410 : memref<128x128xf32, #tpu.memory_space<hbm>>)
    %dma_start3A_415 = arith.constant 198 : i32
    %dma_start3A_416 = arith.constant 3 : i32
    %dma_start3A_417 = arith.constant 3 : i32
    %dma_start3A_418 = arith.constant 0 : i32
    %dma_start3A_419 = arith.constant 0 : i32
    %dma_start3A_420 = tpu.memref_slice %arg6[%dma_start3A_416, %dma_start3A_418, %dma_start3A_419] : memref<5x128x128xf32, #tpu.memory_space<vmem>> -> memref<1x128x128xf32, #tpu.memory_space<vmem>>
    %dma_start3A_421 = tpu.memref_squeeze %dma_start3A_420 : memref<1x128x128xf32, #tpu.memory_space<vmem>> -> memref<128x128xf32, #tpu.memory_space<vmem>>
    %dma_start3A_422 = arith.constant 0 : i32
    %dma_start3A_423 = tpu.memref_slice %arg5[%dma_start3A_415, %dma_start3A_422] : memref<200x128xi32, #tpu.memory_space<vmem>> -> memref<1x128xi32, #tpu.memory_space<vmem>>
    %dma_start3A_424 = tpu.memref_squeeze %dma_start3A_423 : memref<1x128xi32, #tpu.memory_space<vmem>> -> memref<128xi32, #tpu.memory_space<vmem>>
    %dma_start3A_425 = arith.constant 0 : i32
    %dma_start3A_426 = arith.constant 0 : i32
    %dma_start3A_427 = tpu.memref_slice %arg3[%dma_start3A_425, %dma_start3A_426] : memref<100000x128xf32, #tpu.memory_space<hbm>> -> memref<100000x128xf32, #tpu.memory_space<hbm>>
    %dma_start3A_428 = tpu.memref_slice %arg7[%dma_start3A_417] : memref<5x!tpu.dma_semaphore, #tpu.memory_space<semaphore_mem>> -> memref<1x!tpu.dma_semaphore, #tpu.memory_space<semaphore_mem>>
    %dma_start3A_429 = tpu.memref_squeeze %dma_start3A_428 : memref<1x!tpu.dma_semaphore, #tpu.memory_space<semaphore_mem>> -> memref<!tpu.dma_semaphore, #tpu.memory_space<semaphore_mem>>
    tpu.enqueue_indirect_dma source(%dma_start3A_427 : memref<100000x128xf32, #tpu.memory_space<hbm>>) target(%dma_start3A_421 : memref<128x128xf32, #tpu.memory_space<vmem>>) offsets(%dma_start3A_424 : memref<128xi32, #tpu.memory_space<vmem>>) semaphore(%dma_start3A_429 : memref<!tpu.dma_semaphore, #tpu.memory_space<semaphore_mem>>)
    %dma_wait3A_430 = arith.constant 0 : i32
    %dma_wait3A_431 = arith.constant 1 : i32
    %dma_wait3A_432 = arith.constant 1 : i32
    %dma_wait3A_433 = arith.constant 0 : i32
    %dma_wait3A_434 = arith.constant 0 : i32
    %dma_wait3A_435 = tpu.memref_slice %arg6[%dma_wait3A_431, %dma_wait3A_433, %dma_wait3A_434] : memref<5x128x128xf32, #tpu.memory_space<vmem>> -> memref<1x128x128xf32, #tpu.memory_space<vmem>>
    %dma_wait3A_436 = tpu.memref_squeeze %dma_wait3A_435 : memref<1x128x128xf32, #tpu.memory_space<vmem>> -> memref<128x128xf32, #tpu.memory_space<vmem>>
    %dma_wait3A_437 = arith.constant 0 : i32
    %dma_wait3A_438 = tpu.memref_slice %arg5[%dma_wait3A_430, %dma_wait3A_437] : memref<200x128xi32, #tpu.memory_space<vmem>> -> memref<1x128xi32, #tpu.memory_space<vmem>>
    %dma_wait3A_439 = tpu.memref_squeeze %dma_wait3A_438 : memref<1x128xi32, #tpu.memory_space<vmem>> -> memref<128xi32, #tpu.memory_space<vmem>>
    %dma_wait3A_440 = arith.constant 0 : i32
    %dma_wait3A_441 = arith.constant 0 : i32
    %dma_wait3A_442 = tpu.memref_slice %arg3[%dma_wait3A_440, %dma_wait3A_441] : memref<100000x128xf32, #tpu.memory_space<hbm>> -> memref<100000x128xf32, #tpu.memory_space<hbm>>
    %dma_wait3A_443 = tpu.memref_slice %arg7[%dma_wait3A_432] : memref<5x!tpu.dma_semaphore, #tpu.memory_space<semaphore_mem>> -> memref<1x!tpu.dma_semaphore, #tpu.memory_space<semaphore_mem>>
    %dma_wait3A_444 = tpu.memref_squeeze %dma_wait3A_443 : memref<1x!tpu.dma_semaphore, #tpu.memory_space<semaphore_mem>> -> memref<!tpu.dma_semaphore, #tpu.memory_space<semaphore_mem>>
    tpu.wait_indirect_dma semaphore(%dma_wait3A_444 : memref<!tpu.dma_semaphore, #tpu.memory_space<semaphore_mem>>) src(%dma_wait3A_442 : memref<100000x128xf32, #tpu.memory_space<hbm>>) dst(%dma_wait3A_436 : memref<128x128xf32, #tpu.memory_space<vmem>>)
    %dma_start3A_445 = arith.constant 1 : i32
    %dma_start3A_446 = arith.constant 1 : i32
    %dma_start3A_447 = arith.constant 0 : i32
    %dma_start3A_448 = arith.constant 0 : i32
    %dma_start3A_449 = tpu.memref_slice %arg6[%dma_start3A_445, %dma_start3A_447, %dma_start3A_448] : memref<5x128x128xf32, #tpu.memory_space<vmem>> -> memref<1x128x128xf32, #tpu.memory_space<vmem>>
    %dma_start3A_450 = tpu.memref_squeeze %dma_start3A_449 : memref<1x128x128xf32, #tpu.memory_space<vmem>> -> memref<128x128xf32, #tpu.memory_space<vmem>>
    %dma_start3A_451 = arith.constant 25088 : i32
    %dma_start3A_452 = arith.constant 0 : i32
    %dma_start3A_453 = tpu.memref_slice %arg4[%add3A, %dma_start3A_451, %dma_start3A_452] : memref<32x25600x128xf32, #tpu.memory_space<hbm>> -> memref<1x128x128xf32, #tpu.memory_space<hbm>>
    %dma_start3A_454 = tpu.memref_squeeze %dma_start3A_453 : memref<1x128x128xf32, #tpu.memory_space<hbm>> -> memref<128x128xf32, #tpu.memory_space<hbm>>
    %dma_start3A_455 = tpu.memref_slice %arg8[%dma_start3A_446] : memref<5x!tpu.dma_semaphore, #tpu.memory_space<semaphore_mem>> -> memref<1x!tpu.dma_semaphore, #tpu.memory_space<semaphore_mem>>
    %dma_start3A_456 = tpu.memref_squeeze %dma_start3A_455 : memref<1x!tpu.dma_semaphore, #tpu.memory_space<semaphore_mem>> -> memref<!tpu.dma_semaphore, #tpu.memory_space<semaphore_mem>>
    %dma_start3A_457 = arith.constant 25088 : i32
    %dma_start3A_458 = arith.constant 0 : i32
    %dma_start3A_459 = tpu.memref_slice %arg4[%add3A, %dma_start3A_457, %dma_start3A_458] : memref<32x25600x128xf32, #tpu.memory_space<hbm>> -> memref<1x128x128xf32, #tpu.memory_space<hbm>>
    %dma_start3A_460 = tpu.memref_squeeze %dma_start3A_459 : memref<1x128x128xf32, #tpu.memory_space<hbm>> -> memref<128x128xf32, #tpu.memory_space<hbm>>
    %dma_start3A_461 = arith.constant 0 : i32
    %dma_start3A_462 = arith.constant 0 : i32
    %dma_start3A_463 = tpu.memref_slice %arg6[%dma_start3A_445, %dma_start3A_461, %dma_start3A_462] : memref<5x128x128xf32, #tpu.memory_space<vmem>> -> memref<1x128x128xf32, #tpu.memory_space<vmem>>
    %dma_start3A_464 = tpu.memref_squeeze %dma_start3A_463 : memref<1x128x128xf32, #tpu.memory_space<vmem>> -> memref<128x128xf32, #tpu.memory_space<vmem>>
    tpu.enqueue_dma source(%dma_start3A_464 : memref<128x128xf32, #tpu.memory_space<vmem>>) target(%dma_start3A_460 : memref<128x128xf32, #tpu.memory_space<hbm>>) target_semaphore(%dma_start3A_456 : memref<!tpu.dma_semaphore, #tpu.memory_space<semaphore_mem>>)
    %dma_wait3A_465 = arith.constant 4 : i32
    %dma_wait3A_466 = arith.constant 4 : i32
    %dma_wait3A_467 = arith.constant 0 : i32
    %dma_wait3A_468 = arith.constant 0 : i32
    %dma_wait3A_469 = tpu.memref_slice %arg6[%dma_wait3A_465, %dma_wait3A_467, %dma_wait3A_468] : memref<5x128x128xf32, #tpu.memory_space<vmem>> -> memref<1x128x128xf32, #tpu.memory_space<vmem>>
    %dma_wait3A_470 = tpu.memref_squeeze %dma_wait3A_469 : memref<1x128x128xf32, #tpu.memory_space<vmem>> -> memref<128x128xf32, #tpu.memory_space<vmem>>
    %dma_wait3A_471 = arith.constant 0 : i32
    %dma_wait3A_472 = arith.constant 0 : i32
    %dma_wait3A_473 = tpu.memref_slice %arg4[%add3A, %dma_wait3A_471, %dma_wait3A_472] : memref<32x25600x128xf32, #tpu.memory_space<hbm>> -> memref<1x128x128xf32, #tpu.memory_space<hbm>>
    %dma_wait3A_474 = tpu.memref_squeeze %dma_wait3A_473 : memref<1x128x128xf32, #tpu.memory_space<hbm>> -> memref<128x128xf32, #tpu.memory_space<hbm>>
    %dma_wait3A_475 = tpu.memref_slice %arg8[%dma_wait3A_466] : memref<5x!tpu.dma_semaphore, #tpu.memory_space<semaphore_mem>> -> memref<1x!tpu.dma_semaphore, #tpu.memory_space<semaphore_mem>>
    %dma_wait3A_476 = tpu.memref_squeeze %dma_wait3A_475 : memref<1x!tpu.dma_semaphore, #tpu.memory_space<semaphore_mem>> -> memref<!tpu.dma_semaphore, #tpu.memory_space<semaphore_mem>>
    %dma_wait3A_477 = arith.constant 0 : i32
    %dma_wait3A_478 = arith.constant 0 : i32
    %dma_wait3A_479 = tpu.memref_slice %arg4[%add3A, %dma_wait3A_477, %dma_wait3A_478] : memref<32x25600x128xf32, #tpu.memory_space<hbm>> -> memref<1x128x128xf32, #tpu.memory_space<hbm>>
    %dma_wait3A_480 = tpu.memref_squeeze %dma_wait3A_479 : memref<1x128x128xf32, #tpu.memory_space<hbm>> -> memref<128x128xf32, #tpu.memory_space<hbm>>
    %dma_wait3A_481 = arith.constant 0 : i32
    %dma_wait3A_482 = arith.constant 0 : i32
    %dma_wait3A_483 = tpu.memref_slice %arg6[%dma_wait3A_465, %dma_wait3A_481, %dma_wait3A_482] : memref<5x128x128xf32, #tpu.memory_space<vmem>> -> memref<1x128x128xf32, #tpu.memory_space<vmem>>
    %dma_wait3A_484 = tpu.memref_squeeze %dma_wait3A_483 : memref<1x128x128xf32, #tpu.memory_space<vmem>> -> memref<128x128xf32, #tpu.memory_space<vmem>>
    tpu.wait_dma2 semaphore(%dma_wait3A_476 : memref<!tpu.dma_semaphore, #tpu.memory_space<semaphore_mem>>) src(%dma_wait3A_484 : memref<128x128xf32, #tpu.memory_space<vmem>>) dst(%dma_wait3A_480 : memref<128x128xf32, #tpu.memory_space<hbm>>)
    %dma_start3A_485 = arith.constant 199 : i32
    %dma_start3A_486 = arith.constant 4 : i32
    %dma_start3A_487 = arith.constant 4 : i32
    %dma_start3A_488 = arith.constant 0 : i32
    %dma_start3A_489 = arith.constant 0 : i32
    %dma_start3A_490 = tpu.memref_slice %arg6[%dma_start3A_486, %dma_start3A_488, %dma_start3A_489] : memref<5x128x128xf32, #tpu.memory_space<vmem>> -> memref<1x128x128xf32, #tpu.memory_space<vmem>>
    %dma_start3A_491 = tpu.memref_squeeze %dma_start3A_490 : memref<1x128x128xf32, #tpu.memory_space<vmem>> -> memref<128x128xf32, #tpu.memory_space<vmem>>
    %dma_start3A_492 = arith.constant 0 : i32
    %dma_start3A_493 = tpu.memref_slice %arg5[%dma_start3A_485, %dma_start3A_492] : memref<200x128xi32, #tpu.memory_space<vmem>> -> memref<1x128xi32, #tpu.memory_space<vmem>>
    %dma_start3A_494 = tpu.memref_squeeze %dma_start3A_493 : memref<1x128xi32, #tpu.memory_space<vmem>> -> memref<128xi32, #tpu.memory_space<vmem>>
    %dma_start3A_495 = arith.constant 0 : i32
    %dma_start3A_496 = arith.constant 0 : i32
    %dma_start3A_497 = tpu.memref_slice %arg3[%dma_start3A_495, %dma_start3A_496] : memref<100000x128xf32, #tpu.memory_space<hbm>> -> memref<100000x128xf32, #tpu.memory_space<hbm>>
    %dma_start3A_498 = tpu.memref_slice %arg7[%dma_start3A_487] : memref<5x!tpu.dma_semaphore, #tpu.memory_space<semaphore_mem>> -> memref<1x!tpu.dma_semaphore, #tpu.memory_space<semaphore_mem>>
    %dma_start3A_499 = tpu.memref_squeeze %dma_start3A_498 : memref<1x!tpu.dma_semaphore, #tpu.memory_space<semaphore_mem>> -> memref<!tpu.dma_semaphore, #tpu.memory_space<semaphore_mem>>
    tpu.enqueue_indirect_dma source(%dma_start3A_497 : memref<100000x128xf32, #tpu.memory_space<hbm>>) target(%dma_start3A_491 : memref<128x128xf32, #tpu.memory_space<vmem>>) offsets(%dma_start3A_494 : memref<128xi32, #tpu.memory_space<vmem>>) semaphore(%dma_start3A_499 : memref<!tpu.dma_semaphore, #tpu.memory_space<semaphore_mem>>)
    %dma_wait3A_500 = arith.constant 0 : i32
    %dma_wait3A_501 = arith.constant 2 : i32
    %dma_wait3A_502 = arith.constant 2 : i32
    %dma_wait3A_503 = arith.constant 0 : i32
    %dma_wait3A_504 = arith.constant 0 : i32
    %dma_wait3A_505 = tpu.memref_slice %arg6[%dma_wait3A_501, %dma_wait3A_503, %dma_wait3A_504] : memref<5x128x128xf32, #tpu.memory_space<vmem>> -> memref<1x128x128xf32, #tpu.memory_space<vmem>>
    %dma_wait3A_506 = tpu.memref_squeeze %dma_wait3A_505 : memref<1x128x128xf32, #tpu.memory_space<vmem>> -> memref<128x128xf32, #tpu.memory_space<vmem>>
    %dma_wait3A_507 = arith.constant 0 : i32
    %dma_wait3A_508 = tpu.memref_slice %arg5[%dma_wait3A_500, %dma_wait3A_507] : memref<200x128xi32, #tpu.memory_space<vmem>> -> memref<1x128xi32, #tpu.memory_space<vmem>>
    %dma_wait3A_509 = tpu.memref_squeeze %dma_wait3A_508 : memref<1x128xi32, #tpu.memory_space<vmem>> -> memref<128xi32, #tpu.memory_space<vmem>>
    %dma_wait3A_510 = arith.constant 0 : i32
    %dma_wait3A_511 = arith.constant 0 : i32
    %dma_wait3A_512 = tpu.memref_slice %arg3[%dma_wait3A_510, %dma_wait3A_511] : memref<100000x128xf32, #tpu.memory_space<hbm>> -> memref<100000x128xf32, #tpu.memory_space<hbm>>
    %dma_wait3A_513 = tpu.memref_slice %arg7[%dma_wait3A_502] : memref<5x!tpu.dma_semaphore, #tpu.memory_space<semaphore_mem>> -> memref<1x!tpu.dma_semaphore, #tpu.memory_space<semaphore_mem>>
    %dma_wait3A_514 = tpu.memref_squeeze %dma_wait3A_513 : memref<1x!tpu.dma_semaphore, #tpu.memory_space<semaphore_mem>> -> memref<!tpu.dma_semaphore, #tpu.memory_space<semaphore_mem>>
    tpu.wait_indirect_dma semaphore(%dma_wait3A_514 : memref<!tpu.dma_semaphore, #tpu.memory_space<semaphore_mem>>) src(%dma_wait3A_512 : memref<100000x128xf32, #tpu.memory_space<hbm>>) dst(%dma_wait3A_506 : memref<128x128xf32, #tpu.memory_space<vmem>>)
    %dma_start3A_515 = arith.constant 2 : i32
    %dma_start3A_516 = arith.constant 2 : i32
    %dma_start3A_517 = arith.constant 0 : i32
    %dma_start3A_518 = arith.constant 0 : i32
    %dma_start3A_519 = tpu.memref_slice %arg6[%dma_start3A_515, %dma_start3A_517, %dma_start3A_518] : memref<5x128x128xf32, #tpu.memory_space<vmem>> -> memref<1x128x128xf32, #tpu.memory_space<vmem>>
    %dma_start3A_520 = tpu.memref_squeeze %dma_start3A_519 : memref<1x128x128xf32, #tpu.memory_space<vmem>> -> memref<128x128xf32, #tpu.memory_space<vmem>>
    %dma_start3A_521 = arith.constant 25216 : i32
    %dma_start3A_522 = arith.constant 0 : i32
    %dma_start3A_523 = tpu.memref_slice %arg4[%add3A, %dma_start3A_521, %dma_start3A_522] : memref<32x25600x128xf32, #tpu.memory_space<hbm>> -> memref<1x128x128xf32, #tpu.memory_space<hbm>>
    %dma_start3A_524 = tpu.memref_squeeze %dma_start3A_523 : memref<1x128x128xf32, #tpu.memory_space<hbm>> -> memref<128x128xf32, #tpu.memory_space<hbm>>
    %dma_start3A_525 = tpu.memref_slice %arg8[%dma_start3A_516] : memref<5x!tpu.dma_semaphore, #tpu.memory_space<semaphore_mem>> -> memref<1x!tpu.dma_semaphore, #tpu.memory_space<semaphore_mem>>
    %dma_start3A_526 = tpu.memref_squeeze %dma_start3A_525 : memref<1x!tpu.dma_semaphore, #tpu.memory_space<semaphore_mem>> -> memref<!tpu.dma_semaphore, #tpu.memory_space<semaphore_mem>>
    %dma_start3A_527 = arith.constant 25216 : i32
    %dma_start3A_528 = arith.constant 0 : i32
    %dma_start3A_529 = tpu.memref_slice %arg4[%add3A, %dma_start3A_527, %dma_start3A_528] : memref<32x25600x128xf32, #tpu.memory_space<hbm>> -> memref<1x128x128xf32, #tpu.memory_space<hbm>>
    %dma_start3A_530 = tpu.memref_squeeze %dma_start3A_529 : memref<1x128x128xf32, #tpu.memory_space<hbm>> -> memref<128x128xf32, #tpu.memory_space<hbm>>
    %dma_start3A_531 = arith.constant 0 : i32
    %dma_start3A_532 = arith.constant 0 : i32
    %dma_start3A_533 = tpu.memref_slice %arg6[%dma_start3A_515, %dma_start3A_531, %dma_start3A_532] : memref<5x128x128xf32, #tpu.memory_space<vmem>> -> memref<1x128x128xf32, #tpu.memory_space<vmem>>
    %dma_start3A_534 = tpu.memref_squeeze %dma_start3A_533 : memref<1x128x128xf32, #tpu.memory_space<vmem>> -> memref<128x128xf32, #tpu.memory_space<vmem>>
    tpu.enqueue_dma source(%dma_start3A_534 : memref<128x128xf32, #tpu.memory_space<vmem>>) target(%dma_start3A_530 : memref<128x128xf32, #tpu.memory_space<hbm>>) target_semaphore(%dma_start3A_526 : memref<!tpu.dma_semaphore, #tpu.memory_space<semaphore_mem>>)
    %dma_wait3A_535 = arith.constant 0 : i32
    %dma_wait3A_536 = arith.constant 0 : i32
    %dma_wait3A_537 = arith.constant 0 : i32
    %dma_wait3A_538 = arith.constant 0 : i32
    %dma_wait3A_539 = tpu.memref_slice %arg6[%dma_wait3A_535, %dma_wait3A_537, %dma_wait3A_538] : memref<5x128x128xf32, #tpu.memory_space<vmem>> -> memref<1x128x128xf32, #tpu.memory_space<vmem>>
    %dma_wait3A_540 = tpu.memref_squeeze %dma_wait3A_539 : memref<1x128x128xf32, #tpu.memory_space<vmem>> -> memref<128x128xf32, #tpu.memory_space<vmem>>
    %dma_wait3A_541 = arith.constant 0 : i32
    %dma_wait3A_542 = arith.constant 0 : i32
    %dma_wait3A_543 = tpu.memref_slice %arg4[%add3A, %dma_wait3A_541, %dma_wait3A_542] : memref<32x25600x128xf32, #tpu.memory_space<hbm>> -> memref<1x128x128xf32, #tpu.memory_space<hbm>>
    %dma_wait3A_544 = tpu.memref_squeeze %dma_wait3A_543 : memref<1x128x128xf32, #tpu.memory_space<hbm>> -> memref<128x128xf32, #tpu.memory_space<hbm>>
    %dma_wait3A_545 = tpu.memref_slice %arg8[%dma_wait3A_536] : memref<5x!tpu.dma_semaphore, #tpu.memory_space<semaphore_mem>> -> memref<1x!tpu.dma_semaphore, #tpu.memory_space<semaphore_mem>>
    %dma_wait3A_546 = tpu.memref_squeeze %dma_wait3A_545 : memref<1x!tpu.dma_semaphore, #tpu.memory_space<semaphore_mem>> -> memref<!tpu.dma_semaphore, #tpu.memory_space<semaphore_mem>>
    %dma_wait3A_547 = arith.constant 0 : i32
    %dma_wait3A_548 = arith.constant 0 : i32
    %dma_wait3A_549 = tpu.memref_slice %arg4[%add3A, %dma_wait3A_547, %dma_wait3A_548] : memref<32x25600x128xf32, #tpu.memory_space<hbm>> -> memref<1x128x128xf32, #tpu.memory_space<hbm>>
    %dma_wait3A_550 = tpu.memref_squeeze %dma_wait3A_549 : memref<1x128x128xf32, #tpu.memory_space<hbm>> -> memref<128x128xf32, #tpu.memory_space<hbm>>
    %dma_wait3A_551 = arith.constant 0 : i32
    %dma_wait3A_552 = arith.constant 0 : i32
    %dma_wait3A_553 = tpu.memref_slice %arg6[%dma_wait3A_535, %dma_wait3A_551, %dma_wait3A_552] : memref<5x128x128xf32, #tpu.memory_space<vmem>> -> memref<1x128x128xf32, #tpu.memory_space<vmem>>
    %dma_wait3A_554 = tpu.memref_squeeze %dma_wait3A_553 : memref<1x128x128xf32, #tpu.memory_space<vmem>> -> memref<128x128xf32, #tpu.memory_space<vmem>>
    tpu.wait_dma2 semaphore(%dma_wait3A_546 : memref<!tpu.dma_semaphore, #tpu.memory_space<semaphore_mem>>) src(%dma_wait3A_554 : memref<128x128xf32, #tpu.memory_space<vmem>>) dst(%dma_wait3A_550 : memref<128x128xf32, #tpu.memory_space<hbm>>)
    %dma_wait3A_555 = arith.constant 0 : i32
    %dma_wait3A_556 = arith.constant 3 : i32
    %dma_wait3A_557 = arith.constant 3 : i32
    %dma_wait3A_558 = arith.constant 0 : i32
    %dma_wait3A_559 = arith.constant 0 : i32
    %dma_wait3A_560 = tpu.memref_slice %arg6[%dma_wait3A_556, %dma_wait3A_558, %dma_wait3A_559] : memref<5x128x128xf32, #tpu.memory_space<vmem>> -> memref<1x128x128xf32, #tpu.memory_space<vmem>>
    %dma_wait3A_561 = tpu.memref_squeeze %dma_wait3A_560 : memref<1x128x128xf32, #tpu.memory_space<vmem>> -> memref<128x128xf32, #tpu.memory_space<vmem>>
    %dma_wait3A_562 = arith.constant 0 : i32
    %dma_wait3A_563 = tpu.memref_slice %arg5[%dma_wait3A_555, %dma_wait3A_562] : memref<200x128xi32, #tpu.memory_space<vmem>> -> memref<1x128xi32, #tpu.memory_space<vmem>>
    %dma_wait3A_564 = tpu.memref_squeeze %dma_wait3A_563 : memref<1x128xi32, #tpu.memory_space<vmem>> -> memref<128xi32, #tpu.memory_space<vmem>>
    %dma_wait3A_565 = arith.constant 0 : i32
    %dma_wait3A_566 = arith.constant 0 : i32
    %dma_wait3A_567 = tpu.memref_slice %arg3[%dma_wait3A_565, %dma_wait3A_566] : memref<100000x128xf32, #tpu.memory_space<hbm>> -> memref<100000x128xf32, #tpu.memory_space<hbm>>
    %dma_wait3A_568 = tpu.memref_slice %arg7[%dma_wait3A_557] : memref<5x!tpu.dma_semaphore, #tpu.memory_space<semaphore_mem>> -> memref<1x!tpu.dma_semaphore, #tpu.memory_space<semaphore_mem>>
    %dma_wait3A_569 = tpu.memref_squeeze %dma_wait3A_568 : memref<1x!tpu.dma_semaphore, #tpu.memory_space<semaphore_mem>> -> memref<!tpu.dma_semaphore, #tpu.memory_space<semaphore_mem>>
    tpu.wait_indirect_dma semaphore(%dma_wait3A_569 : memref<!tpu.dma_semaphore, #tpu.memory_space<semaphore_mem>>) src(%dma_wait3A_567 : memref<100000x128xf32, #tpu.memory_space<hbm>>) dst(%dma_wait3A_561 : memref<128x128xf32, #tpu.memory_space<vmem>>)
    %dma_start3A_570 = arith.constant 3 : i32
    %dma_start3A_571 = arith.constant 3 : i32
    %dma_start3A_572 = arith.constant 0 : i32
    %dma_start3A_573 = arith.constant 0 : i32
    %dma_start3A_574 = tpu.memref_slice %arg6[%dma_start3A_570, %dma_start3A_572, %dma_start3A_573] : memref<5x128x128xf32, #tpu.memory_space<vmem>> -> memref<1x128x128xf32, #tpu.memory_space<vmem>>
    %dma_start3A_575 = tpu.memref_squeeze %dma_start3A_574 : memref<1x128x128xf32, #tpu.memory_space<vmem>> -> memref<128x128xf32, #tpu.memory_space<vmem>>
    %dma_start3A_576 = arith.constant 25344 : i32
    %dma_start3A_577 = arith.constant 0 : i32
    %dma_start3A_578 = tpu.memref_slice %arg4[%add3A, %dma_start3A_576, %dma_start3A_577] : memref<32x25600x128xf32, #tpu.memory_space<hbm>> -> memref<1x128x128xf32, #tpu.memory_space<hbm>>
    %dma_start3A_579 = tpu.memref_squeeze %dma_start3A_578 : memref<1x128x128xf32, #tpu.memory_space<hbm>> -> memref<128x128xf32, #tpu.memory_space<hbm>>
    %dma_start3A_580 = tpu.memref_slice %arg8[%dma_start3A_571] : memref<5x!tpu.dma_semaphore, #tpu.memory_space<semaphore_mem>> -> memref<1x!tpu.dma_semaphore, #tpu.memory_space<semaphore_mem>>
    %dma_start3A_581 = tpu.memref_squeeze %dma_start3A_580 : memref<1x!tpu.dma_semaphore, #tpu.memory_space<semaphore_mem>> -> memref<!tpu.dma_semaphore, #tpu.memory_space<semaphore_mem>>
    %dma_start3A_582 = arith.constant 25344 : i32
    %dma_start3A_583 = arith.constant 0 : i32
    %dma_start3A_584 = tpu.memref_slice %arg4[%add3A, %dma_start3A_582, %dma_start3A_583] : memref<32x25600x128xf32, #tpu.memory_space<hbm>> -> memref<1x128x128xf32, #tpu.memory_space<hbm>>
    %dma_start3A_585 = tpu.memref_squeeze %dma_start3A_584 : memref<1x128x128xf32, #tpu.memory_space<hbm>> -> memref<128x128xf32, #tpu.memory_space<hbm>>
    %dma_start3A_586 = arith.constant 0 : i32
    %dma_start3A_587 = arith.constant 0 : i32
    %dma_start3A_588 = tpu.memref_slice %arg6[%dma_start3A_570, %dma_start3A_586, %dma_start3A_587] : memref<5x128x128xf32, #tpu.memory_space<vmem>> -> memref<1x128x128xf32, #tpu.memory_space<vmem>>
    %dma_start3A_589 = tpu.memref_squeeze %dma_start3A_588 : memref<1x128x128xf32, #tpu.memory_space<vmem>> -> memref<128x128xf32, #tpu.memory_space<vmem>>
    tpu.enqueue_dma source(%dma_start3A_589 : memref<128x128xf32, #tpu.memory_space<vmem>>) target(%dma_start3A_585 : memref<128x128xf32, #tpu.memory_space<hbm>>) target_semaphore(%dma_start3A_581 : memref<!tpu.dma_semaphore, #tpu.memory_space<semaphore_mem>>)
    %dma_wait3A_590 = arith.constant 1 : i32
    %dma_wait3A_591 = arith.constant 1 : i32
    %dma_wait3A_592 = arith.constant 0 : i32
    %dma_wait3A_593 = arith.constant 0 : i32
    %dma_wait3A_594 = tpu.memref_slice %arg6[%dma_wait3A_590, %dma_wait3A_592, %dma_wait3A_593] : memref<5x128x128xf32, #tpu.memory_space<vmem>> -> memref<1x128x128xf32, #tpu.memory_space<vmem>>
    %dma_wait3A_595 = tpu.memref_squeeze %dma_wait3A_594 : memref<1x128x128xf32, #tpu.memory_space<vmem>> -> memref<128x128xf32, #tpu.memory_space<vmem>>
    %dma_wait3A_596 = arith.constant 0 : i32
    %dma_wait3A_597 = arith.constant 0 : i32
    %dma_wait3A_598 = tpu.memref_slice %arg4[%add3A, %dma_wait3A_596, %dma_wait3A_597] : memref<32x25600x128xf32, #tpu.memory_space<hbm>> -> memref<1x128x128xf32, #tpu.memory_space<hbm>>
    %dma_wait3A_599 = tpu.memref_squeeze %dma_wait3A_598 : memref<1x128x128xf32, #tpu.memory_space<hbm>> -> memref<128x128xf32, #tpu.memory_space<hbm>>
    %dma_wait3A_600 = tpu.memref_slice %arg8[%dma_wait3A_591] : memref<5x!tpu.dma_semaphore, #tpu.memory_space<semaphore_mem>> -> memref<1x!tpu.dma_semaphore, #tpu.memory_space<semaphore_mem>>
    %dma_wait3A_601 = tpu.memref_squeeze %dma_wait3A_600 : memref<1x!tpu.dma_semaphore, #tpu.memory_space<semaphore_mem>> -> memref<!tpu.dma_semaphore, #tpu.memory_space<semaphore_mem>>
    %dma_wait3A_602 = arith.constant 0 : i32
    %dma_wait3A_603 = arith.constant 0 : i32
    %dma_wait3A_604 = tpu.memref_slice %arg4[%add3A, %dma_wait3A_602, %dma_wait3A_603] : memref<32x25600x128xf32, #tpu.memory_space<hbm>> -> memref<1x128x128xf32, #tpu.memory_space<hbm>>
    %dma_wait3A_605 = tpu.memref_squeeze %dma_wait3A_604 : memref<1x128x128xf32, #tpu.memory_space<hbm>> -> memref<128x128xf32, #tpu.memory_space<hbm>>
    %dma_wait3A_606 = arith.constant 0 : i32
    %dma_wait3A_607 = arith.constant 0 : i32
    %dma_wait3A_608 = tpu.memref_slice %arg6[%dma_wait3A_590, %dma_wait3A_606, %dma_wait3A_607] : memref<5x128x128xf32, #tpu.memory_space<vmem>> -> memref<1x128x128xf32, #tpu.memory_space<vmem>>
    %dma_wait3A_609 = tpu.memref_squeeze %dma_wait3A_608 : memref<1x128x128xf32, #tpu.memory_space<vmem>> -> memref<128x128xf32, #tpu.memory_space<vmem>>
    tpu.wait_dma2 semaphore(%dma_wait3A_601 : memref<!tpu.dma_semaphore, #tpu.memory_space<semaphore_mem>>) src(%dma_wait3A_609 : memref<128x128xf32, #tpu.memory_space<vmem>>) dst(%dma_wait3A_605 : memref<128x128xf32, #tpu.memory_space<hbm>>)
    %dma_wait3A_610 = arith.constant 0 : i32
    %dma_wait3A_611 = arith.constant 4 : i32
    %dma_wait3A_612 = arith.constant 4 : i32
    %dma_wait3A_613 = arith.constant 0 : i32
    %dma_wait3A_614 = arith.constant 0 : i32
    %dma_wait3A_615 = tpu.memref_slice %arg6[%dma_wait3A_611, %dma_wait3A_613, %dma_wait3A_614] : memref<5x128x128xf32, #tpu.memory_space<vmem>> -> memref<1x128x128xf32, #tpu.memory_space<vmem>>
    %dma_wait3A_616 = tpu.memref_squeeze %dma_wait3A_615 : memref<1x128x128xf32, #tpu.memory_space<vmem>> -> memref<128x128xf32, #tpu.memory_space<vmem>>
    %dma_wait3A_617 = arith.constant 0 : i32
    %dma_wait3A_618 = tpu.memref_slice %arg5[%dma_wait3A_610, %dma_wait3A_617] : memref<200x128xi32, #tpu.memory_space<vmem>> -> memref<1x128xi32, #tpu.memory_space<vmem>>
    %dma_wait3A_619 = tpu.memref_squeeze %dma_wait3A_618 : memref<1x128xi32, #tpu.memory_space<vmem>> -> memref<128xi32, #tpu.memory_space<vmem>>
    %dma_wait3A_620 = arith.constant 0 : i32
    %dma_wait3A_621 = arith.constant 0 : i32
    %dma_wait3A_622 = tpu.memref_slice %arg3[%dma_wait3A_620, %dma_wait3A_621] : memref<100000x128xf32, #tpu.memory_space<hbm>> -> memref<100000x128xf32, #tpu.memory_space<hbm>>
    %dma_wait3A_623 = tpu.memref_slice %arg7[%dma_wait3A_612] : memref<5x!tpu.dma_semaphore, #tpu.memory_space<semaphore_mem>> -> memref<1x!tpu.dma_semaphore, #tpu.memory_space<semaphore_mem>>
    %dma_wait3A_624 = tpu.memref_squeeze %dma_wait3A_623 : memref<1x!tpu.dma_semaphore, #tpu.memory_space<semaphore_mem>> -> memref<!tpu.dma_semaphore, #tpu.memory_space<semaphore_mem>>
    tpu.wait_indirect_dma semaphore(%dma_wait3A_624 : memref<!tpu.dma_semaphore, #tpu.memory_space<semaphore_mem>>) src(%dma_wait3A_622 : memref<100000x128xf32, #tpu.memory_space<hbm>>) dst(%dma_wait3A_616 : memref<128x128xf32, #tpu.memory_space<vmem>>)
    %dma_start3A_625 = arith.constant 4 : i32
    %dma_start3A_626 = arith.constant 4 : i32
    %dma_start3A_627 = arith.constant 0 : i32
    %dma_start3A_628 = arith.constant 0 : i32
    %dma_start3A_629 = tpu.memref_slice %arg6[%dma_start3A_625, %dma_start3A_627, %dma_start3A_628] : memref<5x128x128xf32, #tpu.memory_space<vmem>> -> memref<1x128x128xf32, #tpu.memory_space<vmem>>
    %dma_start3A_630 = tpu.memref_squeeze %dma_start3A_629 : memref<1x128x128xf32, #tpu.memory_space<vmem>> -> memref<128x128xf32, #tpu.memory_space<vmem>>
    %dma_start3A_631 = arith.constant 25472 : i32
    %dma_start3A_632 = arith.constant 0 : i32
    %dma_start3A_633 = tpu.memref_slice %arg4[%add3A, %dma_start3A_631, %dma_start3A_632] : memref<32x25600x128xf32, #tpu.memory_space<hbm>> -> memref<1x128x128xf32, #tpu.memory_space<hbm>>
    %dma_start3A_634 = tpu.memref_squeeze %dma_start3A_633 : memref<1x128x128xf32, #tpu.memory_space<hbm>> -> memref<128x128xf32, #tpu.memory_space<hbm>>
    %dma_start3A_635 = tpu.memref_slice %arg8[%dma_start3A_626] : memref<5x!tpu.dma_semaphore, #tpu.memory_space<semaphore_mem>> -> memref<1x!tpu.dma_semaphore, #tpu.memory_space<semaphore_mem>>
    %dma_start3A_636 = tpu.memref_squeeze %dma_start3A_635 : memref<1x!tpu.dma_semaphore, #tpu.memory_space<semaphore_mem>> -> memref<!tpu.dma_semaphore, #tpu.memory_space<semaphore_mem>>
    %dma_start3A_637 = arith.constant 25472 : i32
    %dma_start3A_638 = arith.constant 0 : i32
    %dma_start3A_639 = tpu.memref_slice %arg4[%add3A, %dma_start3A_637, %dma_start3A_638] : memref<32x25600x128xf32, #tpu.memory_space<hbm>> -> memref<1x128x128xf32, #tpu.memory_space<hbm>>
    %dma_start3A_640 = tpu.memref_squeeze %dma_start3A_639 : memref<1x128x128xf32, #tpu.memory_space<hbm>> -> memref<128x128xf32, #tpu.memory_space<hbm>>
    %dma_start3A_641 = arith.constant 0 : i32
    %dma_start3A_642 = arith.constant 0 : i32
    %dma_start3A_643 = tpu.memref_slice %arg6[%dma_start3A_625, %dma_start3A_641, %dma_start3A_642] : memref<5x128x128xf32, #tpu.memory_space<vmem>> -> memref<1x128x128xf32, #tpu.memory_space<vmem>>
    %dma_start3A_644 = tpu.memref_squeeze %dma_start3A_643 : memref<1x128x128xf32, #tpu.memory_space<vmem>> -> memref<128x128xf32, #tpu.memory_space<vmem>>
    tpu.enqueue_dma source(%dma_start3A_644 : memref<128x128xf32, #tpu.memory_space<vmem>>) target(%dma_start3A_640 : memref<128x128xf32, #tpu.memory_space<hbm>>) target_semaphore(%dma_start3A_636 : memref<!tpu.dma_semaphore, #tpu.memory_space<semaphore_mem>>)
    %dma_wait3A_645 = arith.constant 2 : i32
    %dma_wait3A_646 = arith.constant 2 : i32
    %dma_wait3A_647 = arith.constant 0 : i32
    %dma_wait3A_648 = arith.constant 0 : i32
    %dma_wait3A_649 = tpu.memref_slice %arg6[%dma_wait3A_645, %dma_wait3A_647, %dma_wait3A_648] : memref<5x128x128xf32, #tpu.memory_space<vmem>> -> memref<1x128x128xf32, #tpu.memory_space<vmem>>
    %dma_wait3A_650 = tpu.memref_squeeze %dma_wait3A_649 : memref<1x128x128xf32, #tpu.memory_space<vmem>> -> memref<128x128xf32, #tpu.memory_space<vmem>>
    %dma_wait3A_651 = arith.constant 0 : i32
    %dma_wait3A_652 = arith.constant 0 : i32
    %dma_wait3A_653 = tpu.memref_slice %arg4[%add3A, %dma_wait3A_651, %dma_wait3A_652] : memref<32x25600x128xf32, #tpu.memory_space<hbm>> -> memref<1x128x128xf32, #tpu.memory_space<hbm>>
    %dma_wait3A_654 = tpu.memref_squeeze %dma_wait3A_653 : memref<1x128x128xf32, #tpu.memory_space<hbm>> -> memref<128x128xf32, #tpu.memory_space<hbm>>
    %dma_wait3A_655 = tpu.memref_slice %arg8[%dma_wait3A_646] : memref<5x!tpu.dma_semaphore, #tpu.memory_space<semaphore_mem>> -> memref<1x!tpu.dma_semaphore, #tpu.memory_space<semaphore_mem>>
    %dma_wait3A_656 = tpu.memref_squeeze %dma_wait3A_655 : memref<1x!tpu.dma_semaphore, #tpu.memory_space<semaphore_mem>> -> memref<!tpu.dma_semaphore, #tpu.memory_space<semaphore_mem>>
    %dma_wait3A_657 = arith.constant 0 : i32
    %dma_wait3A_658 = arith.constant 0 : i32
    %dma_wait3A_659 = tpu.memref_slice %arg4[%add3A, %dma_wait3A_657, %dma_wait3A_658] : memref<32x25600x128xf32, #tpu.memory_space<hbm>> -> memref<1x128x128xf32, #tpu.memory_space<hbm>>
    %dma_wait3A_660 = tpu.memref_squeeze %dma_wait3A_659 : memref<1x128x128xf32, #tpu.memory_space<hbm>> -> memref<128x128xf32, #tpu.memory_space<hbm>>
    %dma_wait3A_661 = arith.constant 0 : i32
    %dma_wait3A_662 = arith.constant 0 : i32
    %dma_wait3A_663 = tpu.memref_slice %arg6[%dma_wait3A_645, %dma_wait3A_661, %dma_wait3A_662] : memref<5x128x128xf32, #tpu.memory_space<vmem>> -> memref<1x128x128xf32, #tpu.memory_space<vmem>>
    %dma_wait3A_664 = tpu.memref_squeeze %dma_wait3A_663 : memref<1x128x128xf32, #tpu.memory_space<vmem>> -> memref<128x128xf32, #tpu.memory_space<vmem>>
    tpu.wait_dma2 semaphore(%dma_wait3A_656 : memref<!tpu.dma_semaphore, #tpu.memory_space<semaphore_mem>>) src(%dma_wait3A_664 : memref<128x128xf32, #tpu.memory_space<vmem>>) dst(%dma_wait3A_660 : memref<128x128xf32, #tpu.memory_space<hbm>>)
    %dma_wait3A_665 = arith.constant 3 : i32
    %dma_wait3A_666 = arith.constant 3 : i32
    %dma_wait3A_667 = arith.constant 0 : i32
    %dma_wait3A_668 = arith.constant 0 : i32
    %dma_wait3A_669 = tpu.memref_slice %arg6[%dma_wait3A_665, %dma_wait3A_667, %dma_wait3A_668] : memref<5x128x128xf32, #tpu.memory_space<vmem>> -> memref<1x128x128xf32, #tpu.memory_space<vmem>>
    %dma_wait3A_670 = tpu.memref_squeeze %dma_wait3A_669 : memref<1x128x128xf32, #tpu.memory_space<vmem>> -> memref<128x128xf32, #tpu.memory_space<vmem>>
    %dma_wait3A_671 = arith.constant 0 : i32
    %dma_wait3A_672 = arith.constant 0 : i32
    %dma_wait3A_673 = tpu.memref_slice %arg4[%add3A, %dma_wait3A_671, %dma_wait3A_672] : memref<32x25600x128xf32, #tpu.memory_space<hbm>> -> memref<1x128x128xf32, #tpu.memory_space<hbm>>
    %dma_wait3A_674 = tpu.memref_squeeze %dma_wait3A_673 : memref<1x128x128xf32, #tpu.memory_space<hbm>> -> memref<128x128xf32, #tpu.memory_space<hbm>>
    %dma_wait3A_675 = tpu.memref_slice %arg8[%dma_wait3A_666] : memref<5x!tpu.dma_semaphore, #tpu.memory_space<semaphore_mem>> -> memref<1x!tpu.dma_semaphore, #tpu.memory_space<semaphore_mem>>
    %dma_wait3A_676 = tpu.memref_squeeze %dma_wait3A_675 : memref<1x!tpu.dma_semaphore, #tpu.memory_space<semaphore_mem>> -> memref<!tpu.dma_semaphore, #tpu.memory_space<semaphore_mem>>
    %dma_wait3A_677 = arith.constant 0 : i32
    %dma_wait3A_678 = arith.constant 0 : i32
    %dma_wait3A_679 = tpu.memref_slice %arg4[%add3A, %dma_wait3A_677, %dma_wait3A_678] : memref<32x25600x128xf32, #tpu.memory_space<hbm>> -> memref<1x128x128xf32, #tpu.memory_space<hbm>>
    %dma_wait3A_680 = tpu.memref_squeeze %dma_wait3A_679 : memref<1x128x128xf32, #tpu.memory_space<hbm>> -> memref<128x128xf32, #tpu.memory_space<hbm>>
    %dma_wait3A_681 = arith.constant 0 : i32
    %dma_wait3A_682 = arith.constant 0 : i32
    %dma_wait3A_683 = tpu.memref_slice %arg6[%dma_wait3A_665, %dma_wait3A_681, %dma_wait3A_682] : memref<5x128x128xf32, #tpu.memory_space<vmem>> -> memref<1x128x128xf32, #tpu.memory_space<vmem>>
    %dma_wait3A_684 = tpu.memref_squeeze %dma_wait3A_683 : memref<1x128x128xf32, #tpu.memory_space<vmem>> -> memref<128x128xf32, #tpu.memory_space<vmem>>
    tpu.wait_dma2 semaphore(%dma_wait3A_676 : memref<!tpu.dma_semaphore, #tpu.memory_space<semaphore_mem>>) src(%dma_wait3A_684 : memref<128x128xf32, #tpu.memory_space<vmem>>) dst(%dma_wait3A_680 : memref<128x128xf32, #tpu.memory_space<hbm>>)
    %dma_wait3A_685 = arith.constant 4 : i32
    %dma_wait3A_686 = arith.constant 4 : i32
    %dma_wait3A_687 = arith.constant 0 : i32
    %dma_wait3A_688 = arith.constant 0 : i32
    %dma_wait3A_689 = tpu.memref_slice %arg6[%dma_wait3A_685, %dma_wait3A_687, %dma_wait3A_688] : memref<5x128x128xf32, #tpu.memory_space<vmem>> -> memref<1x128x128xf32, #tpu.memory_space<vmem>>
    %dma_wait3A_690 = tpu.memref_squeeze %dma_wait3A_689 : memref<1x128x128xf32, #tpu.memory_space<vmem>> -> memref<128x128xf32, #tpu.memory_space<vmem>>
    %dma_wait3A_691 = arith.constant 0 : i32
    %dma_wait3A_692 = arith.constant 0 : i32
    %dma_wait3A_693 = tpu.memref_slice %arg4[%add3A, %dma_wait3A_691, %dma_wait3A_692] : memref<32x25600x128xf32, #tpu.memory_space<hbm>> -> memref<1x128x128xf32, #tpu.memory_space<hbm>>
    %dma_wait3A_694 = tpu.memref_squeeze %dma_wait3A_693 : memref<1x128x128xf32, #tpu.memory_space<hbm>> -> memref<128x128xf32, #tpu.memory_space<hbm>>
    %dma_wait3A_695 = tpu.memref_slice %arg8[%dma_wait3A_686] : memref<5x!tpu.dma_semaphore, #tpu.memory_space<semaphore_mem>> -> memref<1x!tpu.dma_semaphore, #tpu.memory_space<semaphore_mem>>
    %dma_wait3A_696 = tpu.memref_squeeze %dma_wait3A_695 : memref<1x!tpu.dma_semaphore, #tpu.memory_space<semaphore_mem>> -> memref<!tpu.dma_semaphore, #tpu.memory_space<semaphore_mem>>
    %dma_wait3A_697 = arith.constant 0 : i32
    %dma_wait3A_698 = arith.constant 0 : i32
    %dma_wait3A_699 = tpu.memref_slice %arg4[%add3A, %dma_wait3A_697, %dma_wait3A_698] : memref<32x25600x128xf32, #tpu.memory_space<hbm>> -> memref<1x128x128xf32, #tpu.memory_space<hbm>>
    %dma_wait3A_700 = tpu.memref_squeeze %dma_wait3A_699 : memref<1x128x128xf32, #tpu.memory_space<hbm>> -> memref<128x128xf32, #tpu.memory_space<hbm>>
    %dma_wait3A_701 = arith.constant 0 : i32
    %dma_wait3A_702 = arith.constant 0 : i32
    %dma_wait3A_703 = tpu.memref_slice %arg6[%dma_wait3A_685, %dma_wait3A_701, %dma_wait3A_702] : memref<5x128x128xf32, #tpu.memory_space<vmem>> -> memref<1x128x128xf32, #tpu.memory_space<vmem>>
    %dma_wait3A_704 = tpu.memref_squeeze %dma_wait3A_703 : memref<1x128x128xf32, #tpu.memory_space<vmem>> -> memref<128x128xf32, #tpu.memory_space<vmem>>
    tpu.wait_dma2 semaphore(%dma_wait3A_696 : memref<!tpu.dma_semaphore, #tpu.memory_space<semaphore_mem>>) src(%dma_wait3A_704 : memref<128x128xf32, #tpu.memory_space<vmem>>) dst(%dma_wait3A_700 : memref<128x128xf32, #tpu.memory_space<hbm>>)
    return
  }
}

</mosaic_0001>

<sc_bundles>
// kernel: kernel.3.cloned.1.call-start
scs
__scs_entry_jumppad:
0x0: {  	(pc) =	sbr.rel $0x88, $3  }
0x1: {  	(tag) =	ssettag $0x0;
	lr =	simm.s32 $0x1  }
0x2: {  	[smem:$0x3F9F] =	sst lr;
	_ =	strace $0xD0000000  }
0x3: {  	_ = 	snop  }
0x4: {  	_ = 	snop  }
0x5: {  	_ = 	snop  }
0x6: {  	_ = 	snop  }
0x7: {  	_ = 	snop  }
__scs_overlays_trampoline_lowered:
0x8: {  	[smem:$0x3FAE] =	sst s0  }
0x9: {  	[smem:$0x3FAF] =	sst s1  }
0xa: {  	[smem:$0x3FB0] =	sst s2  }
0xb: {  	[smem:$0x3FB1] =	sst s3  }
0xc: {  	[smem:$0x3FB2] =	sst s4  }
0xd: {  	[smem:$0x3FB3] =	sst s5  }
0xe: {  	[smem:$0x3FB4] =	sst s6  }
0xf: {  	[smem:$0x3FB5] =	sst s7  }
0x10: {  	[smem:$0x3FB6] =	sst s8  }
0x11: {  	[smem:$0x3FB7] =	sst s9;
	s0 =	simm.s32 @!p0 $0x0  }
0x12: {  	s1 =	sld [smem:$0x3F9D];
	s0 =	simm.s32 @p0 $0x1  }
0x13: {  	[smem:$0x3FB8] =	sst s0;
	s0 =	simm.s32 @!p1 $0x0  }
0x14: {  	s2 =	sld [smem:$0x3F9C];
	s0 =	simm.s32 @p1 $0x1  }
0x15: {  	[smem:$0x3FB9] =	sst s0;
	s0 =	simm.s32 @!p2 $0x0  }
0x16: {  	s3 =	sld [smem:$0x3FDB];
	s0 =	simm.s32 @p2 $0x1  }
0x17: {  	s4 =	simm.s32 $0x1BF5;
	[smem:$0x3FBB] =	sst s0  }
0x18: {  	s0 =	sld [smem:$0x3F9E];
	_ =	swait.ge [sflag:s4], $0x0  }
0x19: {  	s7 =	sld [smem:$0x3F9F]  }
0x1a: {  	s8 =	sadd.s32 $0xFFFFE003, lr  }
0x1b: {  	s9 =	sadd.s32 $0xFFFFFEF7, lr;
	s5 =	simm.s32 $0xFFFFFFFF;
	p2 =	slt.u32 s8, $0xFFFFF086  }
0x1c: {  	p1 =	slt.u32 s9, $0xF7A;
	s5 =	simm.s32 @!p2 $0x0  }
0x1d: {  	s5 =	simm.s32 @p1 $0x1;
	p0 =	seq.s32 s7, s2  }
0x1e: {  	s7 =	smul.u32 @!p0 $0xF7A, s2;
	p2 =	seq.s32 @!p0 s5, $0x0  }
0x1f: {  	s9 =	smul.u32 $0xF7A, s1;
	s8 =	simm.s32 @!p0 $0x1BF5;
	p2 =	por !p2, p0  }
0x20: {  	[sflag:s8] =	ssyncset.s32 @!p0 $0xFFFFF086;
	s6 =	sadd.s32 @!p0 s3, s7;
	s7 =	simm.s32 @!p0 $0x108  }
0x21: {  	s3 =	sadd.s32 s3, s9;
	s6 =	sadd.s32 @!p0 $0x88, s6;
	s7 =	simm.s32 @p2 $0x1082  }
0x22: {  	[simem:s7], [sflag:s8] =	dma.local @!p0 [hbm:s6], $0xF7A  }
0x23: {  	s9 =	sor.u32 $0xD0000000, s2;
	s6 =	simm.s32 $0x108;
	_ =	swait.ge @!p0 [sflag:s8], $0x0  }
0x24: {  	s3 =	sadd.s32 $0x88, s3;
	s6 =	simm.s32 @!p1 $0x1082;
	[sflag:s4] =	ssyncset.s32 $0xFFFFF086  }
0x25: {  	[simem:s6], [sflag:s4] =	dma.local [hbm:s3], $0xF7A  }
0x26: {  	[smem:$0x3F9F] =	sst s1;
	(tag) =	ssettag s2;
	_ =	strace s9  }
0x27: {  	s1 =	sld [smem:$0x3FAF]  }
0x28: {  	s2 =	sld [smem:$0x3FB0]  }
0x29: {  	s4 =	sld [smem:$0x3FB2]  }
0x2a: {  	p0 =	seq.s32 s5, $0x0;
	s5 =	sld [smem:$0x3FB3]  }
0x2b: {  	s6 =	sld [smem:$0x3FB4]  }
0x2c: {  	s7 =	sld [smem:$0x3FB5]  }
0x2d: {  	s3 =	simm.s32 $0x108;
	s8 =	sld [smem:$0x3FB6]  }
0x2e: {  	s3 =	simm.s32 @!p0 $0x1082;
	s9 =	sld [smem:$0x3FB7]  }
0x2f: {  	lr =	sadd.s32 s0, s3;
	s0 =	sld [smem:$0x3FAE]  }
0x30: {  	s3 =	sld [smem:$0x3FB1]  }
0x31: {  	[smem:$0x3FBA] =	sst s10  }
0x32: {  	s10 =	sld [smem:$0x3FB8];
	_ =	sdelay $0x3  }
0x33: {  	p0 =	seq.s32 s10, $0x1;
	s10 =	sld [smem:$0x3FBA];
	_ =	sdelay $0x3  }
0x34: {  	[smem:$0x3FBA] =	sst s10  }
0x35: {  	s10 =	sld [smem:$0x3FB9];
	_ =	sdelay $0x3  }
0x36: {  	p1 =	seq.s32 s10, $0x1;
	s10 =	sld [smem:$0x3FBA];
	_ =	sdelay $0x3  }
0x37: {  	[smem:$0x3FBA] =	sst s10  }
0x38: {  	s10 =	sld [smem:$0x3FBB]  }
0x39: {  	_ = 	snop;
	(pc) =	sbr.ind lr, $3  }
0x3a: {  	_ = 	snop  }
0x3b: {  	_ = 	snop  }
0x3c: {  	p2 =	seq.s32 s10, $0x1;
	s10 =	sld [smem:$0x3FBA]  }
0x3d: {  	_ =	shalt  }
0x3e: {  	_ =	shalt  }
0x3f: {  	_ =	shalt  }
0x40: {  	_ =	shalt  }
0x41: {  	_ =	shalt  }
0x42: {  	_ =	shalt  }
0x43: {  	_ =	shalt  }
0x44: {  	_ =	shalt  }
0x45: {  	_ =	shalt  }
0x46: {  	_ =	shalt  }
0x47: {  	_ =	shalt  }
0x48: {  	_ =	shalt  }
0x49: {  	_ =	shalt  }
0x4a: {  	_ =	shalt  }
0x4b: {  	_ =	shalt  }
0x4c: {  	_ =	shalt  }
0x4d: {  	_ =	shalt  }
0x4e: {  	_ =	shalt  }
0x4f: {  	_ =	shalt  }
0x50: {  	_ =	shalt  }
0x51: {  	_ =	shalt  }
0x52: {  	_ =	shalt  }
0x53: {  	_ =	shalt  }
0x54: {  	_ =	shalt  }
0x55: {  	_ =	shalt  }
0x56: {  	_ =	shalt  }
0x57: {  	_ =	shalt  }
0x58: {  	_ =	shalt  }
0x59: {  	_ =	shalt  }
0x5a: {  	_ =	shalt  }
0x5b: {  	_ =	shalt  }
0x5c: {  	_ =	shalt  }
0x5d: {  	_ =	shalt  }
0x5e: {  	_ =	shalt  }
0x5f: {  	_ =	shalt  }
0x60: {  	_ =	shalt  }
0x61: {  	_ =	shalt  }
0x62: {  	_ =	shalt  }
0x63: {  	_ =	shalt  }
0x64: {  	_ =	shalt  }
0x65: {  	_ =	shalt  }
0x66: {  	_ =	shalt  }
0x67: {  	_ =	shalt  }
0x68: {  	_ =	shalt  }
0x69: {  	_ =	shalt  }
0x6a: {  	_ =	shalt  }
0x6b: {  	_ =	shalt  }
0x6c: {  	_ =	shalt  }
0x6d: {  	_ =	shalt  }
0x6e: {  	_ =	shalt  }
0x6f: {  	_ =	shalt  }
0x70: {  	_ =	shalt  }
0x71: {  	_ =	shalt  }
0x72: {  	_ =	shalt  }
0x73: {  	_ =	shalt  }
0x74: {  	_ =	shalt  }
0x75: {  	_ =	shalt  }
0x76: {  	_ =	shalt  }
0x77: {  	_ =	shalt  }
0x78: {  	_ =	shalt  }
0x79: {  	_ =	shalt  }
0x7a: {  	_ =	shalt  }
0x7b: {  	_ =	shalt  }
0x7c: {  	_ =	shalt  }
0x7d: {  	_ =	shalt  }
0x7e: {  	_ =	shalt  }
0x7f: {  	_ =	shalt  }
0x80: {  	_ =	shalt  }
0x81: {  	_ =	shalt  }
0x82: {  	_ =	shalt  }
0x83: {  	_ =	shalt  }
0x84: {  	_ =	shalt  }
0x85: {  	_ =	shalt  }
0x86: {  	_ =	shalt  }
0x87: {  	_ =	shalt  }
.Lfunc_end0:
.L_simem_size_0:
called_computation_lowered:
.L_overlay_start_0:
0x88: {  	s2 =	sld [smem:$0x3FD9]  }
0x89: {  	s3 =	sld [smem:$0x3FFE];
	_ =	sdelay $0x1  }
0x8a: {  	s1 =	srdreg.scid  }
0x8b: {  	s0 =	sand.u32 $0x1, s1  }
0x8c: {  	s17 =	sshll.u32 s0, $0xA;
	s2 =	sadd.s32 s3, s2  }
0x8d: {  	s2 =	sadd.s32 s2, s17  }
0x8e: {  	[smem:$0x3FC6] =	sst s2  }
0x8f: {  	_ = 	snop  }
0x90: {  	s2 =	sld [smem:$0x3FC8]  }
0x91: {  	s18 =	sld [smem:$0x3FD0];
	(tm) =	ssettm $0x1  }
0x92: {  	s4 =	sld [smem:$0x3FFB];
	_ =	sdelay $0x3  }
0x93: {  	_ =	strace s4  }
0x94: {  	s4 =	sld [smem:$0x3FFC];
	_ =	sdelay $0x3  }
0x95: {  	_ =	strace s4  }
0x96: {  	s4 =	sld [smem:$0x3FFD];
	_ =	sdelay $0x3  }
0x97: {  	_ =	strace s4  }
0x98: {  	_ =	strace $0x8FFFFFFF  }
0x99: {  	s19 =	sld [smem:$0x3FDB];
	_ =	sdelay $0x1  }
0x9a: {  	s5 =	simm.s32 $_scs_section_size  }
0x9b: {  	s6 =	simm.s32 $_size__tile_overlayer_lowered;
	s7 =	simm.s32 $_tile_overlayer_lowered  }
0x9c: {  	s22 =	simm.s32 $0x1BFF;
	s21 =	sshll.u32 s7, $0x1;
	s4 =	sadd.s32 s5, s19  }
0x9d: {  	s8 =	simm.s32 $0x0;
	s20 =	sshll.u32 s6, $0x1;
	s6 =	sadd.s32 s21, s4  }
0x9e: {  	[timem:s8], [sflag:s22] =	dma.local [hbm:s6], s20  }
0x9f: {  	_ =	swait.ge [sflag:s22], s20  }
0xa0: {  	s5 =	ssub.s32 $0x0, s20;
	[sflag:s22] =	ssyncset.done $0x0  }
0xa1: {  	[sflag:s22] =	ssyncadd.s32 s5;
	_ =	sdelay $0x1  }
0xa2: {  	s23 =	simm.s32 $0x1B8B  }
0xa3: {  	_ =	swait.ge [sflag:s23], $0x1  }
0xa4: {  	[sflag:s23] =	ssyncset.done $0x0  }
0xa5: {  	s25 =	simm.s32 $0x1B8E;
	s24 =	sld [smem:$0x3FFE];
	[sflag:s23] =	ssyncadd.s32 $0xFFFFFFFF  }
0xa6: {  	s26 =	simm.s32 $execute0_lowered;
	[smem:$0x3FD2] =	sst s25  }
0xa7: {  	s6 =	sshll.u32 s26, $0x1;
	_ =	strace $0x80000046;
	[dreg:$0x1] =	wrdreg $0xFFFFFFFF  }
0xa8: {  	s28 =	simm.s32 $_size_execute0_lowered;
	s4 =	sadd.s32 s4, s6;
	[dreg:$0x0] =	wrdreg $0x0  }
0xa9: {  	s6 =	sshll.u32 s28, $0x1;
	[dreg:$0x2] =	wrdreg s4  }
0xaa: {  	[dreg:$0x3] =	wrdreg s6  }
0xab: {  	[dreg:$0x4] =	wrdreg $0xC0  }
0xac: {  	_ =	task [dreg:s8], $0x5FFFF  }
0xad: {  	[dreg:$0x1] =	wrdreg $0xFFFFFFFF  }
0xae: {  	[dreg:$0x0] =	wrdreg $0x60  }
0xaf: {  	[dreg:$0x2] =	wrdreg s24  }
0xb0: {  	[dreg:$0x3] =	wrdreg s2  }
0xb1: {  	[dreg:$0x4] =	wrdreg s18  }
0xb2: {  	[dreg:$0x5] =	wrdreg $0x9  }
0xb3: {  	_ =	task.clear_ibuf [dreg:s8], $0x6FFFF;
	_ =	strace $0x90000046  }
0xb4: {  	s29 =	simm.s32 $0x9;
	_ =	strace $0x80000048  }
0xb5: {  	_ =	swait.ge [sflag:s29], $0x1  }
0xb6: {  	[sflag:s29] =	ssyncadd.s32 $0xFFFFFFFF  }
0xb7: {  	_ =	strace $0x90000048  }
0xb8: {  	_ =	sfence  }
0xb9: {  	s30 =	sld [smem:$0x0];
	_ =	sdelay $0x2  }
0xba: {  	s31 =	sshll.u32 s1, $0xD;
	s1 =	sshrl.u32 s1, $0x2  }
0xbb: {  	s3 =	sand.u32 $0x4000, s31;
	s1 =	sadd.s32 s1, s30  }
0xbc: {  	s0 =	sor.u32 s3, s0;
	s1 =	sshll.u32 s1, $0x11  }
0xbd: {  	s0 =	sor.u32 s1, s0  }
0xbe: {  	s0 =	sadd.s32 $0x8F2B, s0  }
0xbf: {  	[sflag:s0] =	ssyncadd.remote.s32 $0x1  }
0xc0: {  	_ =	sfence.sel $0xFFFF  }
0xc1: {  	[dreg:$0x0] =	wrdreg $0xFFFFFFFF;
	(pc) =	sbr.abs _section_cstart, $3  }
0xc2: {  	[dreg:$0x1] =	wrdreg $0xFFFFFFFF  }
0xc3: {  	_ =	task.clear_ibuf [dreg:s8], $0x2FFFF;
	_ =	strace $0x9FFFFFFF  }
0xc4: {  	(tm) =	ssettm $0x7FFFFFFF  }
0xc5: {  	_ =	shalt  }
tec
execute0_lowered:
.L_overlay_start_1:
0x0: {  	(tag) =	ssettag $0x1  }
0x1: {  	s0 =	rddreg [dreg:$0x0]  }
0x2: {  	s1 =	srdreg.scid;
	s8 =	stileid.u32  }
0x3: {  	s2 =	rddreg [dreg:$0x1];
	s1 =	sand.u32 $0x1, s1;
	s3 =	sshll.u32 s8, $0x1  }
0x4: {  	s4 =	rddreg [dreg:$0x2];
	s28 =	simm.s32 $0x1;
	s5 =	sor.u32 s1, s3  }
0x5: {  	s30 =	simm.s32 $0x12400;
	s31 =	simm.s32 $0x2;
	s6 =	smul.u32 $0xC80, s5  }
0x6: {  	s3 =	simm.s32 $0x0;
	s7 =	ssub.s32 $0x2, s1;
	s5 =	smul.u32 $0x320000, s5  }
0x7: {  	[smem:$0x7FF] =	sst s3;
	s9 =	sshrl.u32 s7, $0x1;
	s0 =	sadd.s32 s6, s0  }
0x8: {  	_ =	strace $0x80000047;
	s5 =	sshrl.u32 s5, $0x3;
	s0 =	sadd.s32 $0x400, s0  }
0x9: {  	s6 =	ssub.s32 s7, s9;
	s10 =	sadd.s32 s4, s5;
	[dreg:$0x5] =	wrdreg s0  }
0xa: {  	s29 =	simm.s32 $0x6;
	s6 =	smax.u32 s6, $0x1;
	[dreg:$0x4] =	wrdreg s10  }
0xb: {  	s11 =	smul.u32 $0x640000, s8;
	s12 =	sadd.s32 $0x800, s10;
	[dreg:$0xf] =	wrdreg s6  }
0xc: {  	s8 =	simm.s32 $0x9;
	s14 =	sadd.s32 $0x1000, s10;
	[dreg:$0x6] =	wrdreg s12  }
0xd: {  	s13 =	smul.u32 $0x320000, s1;
	s15 =	sadd.s32 $0x1800, s10;
	[dreg:$0x7] =	wrdreg s14  }
0xe: {  	s7 =	simm.s32 $0x8;
	s16 =	sadd.s32 $0x2000, s10;
	[dreg:$0x8] =	wrdreg s15  }
0xf: {  	s9 =	simm.s32 $0xA;
	s17 =	sadd.s32 $0x61800, s10;
	[dreg:$0x9] =	wrdreg s16  }
0x10: {  	s18 =	sadd.s32 $0x62000, s10;
	s0 =	sadd.s32 s13, s11;
	[dreg:$0xa] =	wrdreg s17  }
0x11: {  	s19 =	sadd.s32 $0x62800, s10;
	s20 =	sadd.s32 $0x63000, s10;
	[dreg:$0xb] =	wrdreg s18  }
0x12: {  	s22 =	sadd.s32 $0x63800, s10;
	s6 =	simm.s32 $0x5;
	[dreg:$0xc] =	wrdreg s19  }
0x13: {  	s10 =	simm.s32 $0x0;
	[dreg:$0xd] =	wrdreg s20;
	s21 =	sadd.s32 $0x24000, s0  }
0x14: {  	[dreg:$0xe] =	wrdreg s22;
	s23 =	sadd.s32 $0x20000, s0;
	s25 =	sor.u32 $0x1C000, s0  }
0x15: {  	s26 =	sor.u32 $0x18000, s0;
	s0 =	sor.u32 $0x14000, s0;
	s22 =	simm.s32 $0x80  }
0x16: {  	s1 =	sshrl.u32 s21, $0x3;
	s24 =	sshrl.u32 s23, $0x3;
	s5 =	sshrl.u32 s26, $0x3  }
0x17: {  	s0 =	sshrl.u32 s0, $0x3;
	s23 =	simm.s32 $0x6400;
	s26 =	simm.s32 $0xE400  }
0x18: {  	s1 =	sadd.s32 s1, s4;
	s17 =	sadd.s32 s24, s4;
	s19 =	sadd.s32 s5, s4  }
0x19: {  	s20 =	sadd.s32 s0, s4;
	s24 =	simm.s32 $0xA400;
	s0 =	simm.s32 $0x16400  }
0x1a: {  	s5 =	simm.s32 $0x7;
	[dreg:$0x10] =	wrdreg s1;
	s1 =	sshrl.u32 s25, $0x3  }
0x1b: {  	s25 =	simm.s32 $0x3;
	s18 =	sadd.s32 s1, s4;
	s1 =	simm.s32 $0x4  }
.LBB2_1:
0x1c: {  	s4 =	rddreg [dreg:$0x5];
	s14 =	simm.s32 $0xB  }
0x1d: {  	[tilespmem:s3], [sflag:$0xB] =	stream.linear.gather [hbm4b:s4+s3], $0x6400, $0x38;
	[tilespmem:$0x1A400] =	vst v63  }
0x1e: {  	_ =	swait.ge [sflag:s14], $0x6400  }
0x1f: {  	[sflag:s14] =	ssyncset.done $0x0  }
0x20: {  	[sflag:s14] =	ssyncadd.s32 $0xFFFF9C00  }
0x21: {  	[tilespmem:s23], [sflag:$0x1] =	stream.indirect.gather [hbm4b:s2+s22], $0x80, s3, s22, $0xb8;
	[tilespmem:$0x1A400] =	vst v63  }
0x22: {  	_ = 	snop  }
0x23: {  	[tilespmem:s24], [sflag:$0x2] =	stream.indirect.gather [hbm4b:s2+s22], $0x80, s22, s22, $0xb8;
	[tilespmem:$0x1A400] =	vst v63  }
0x24: {  	s15 =	simm.s32 $0x100  }
0x25: {  	[tilespmem:s26], [sflag:$0x3] =	stream.indirect.gather [hbm4b:s2+s22], $0x80, s15, s22, $0xb8;
	[tilespmem:$0x1A400] =	vst v63  }
0x26: {  	_ =	swait.ge [sflag:s28], $0x4000  }
0x27: {  	[sflag:s28] =	ssyncset.done $0x0  }
0x28: {  	s16 =	rddreg [dreg:$0x4];
	[sflag:s28] =	ssyncadd.s32 $0xFFFFC000  }
0x29: {  	[hbm4b:s16+s3] =	stream.linear.scatter [tilespmem:s23], [sflag:$0x6], $0x4000, $0x38;
	[tilespmem:$0x1A400] =	vst v63  }
0x2a: {  	s21 =	simm.s32 $0x180  }
0x2b: {  	[tilespmem:s30], [sflag:$0x4] =	stream.indirect.gather [hbm4b:s2+s22], $0x80, s21, s22, $0xb8;
	[tilespmem:$0x1A400] =	vst v63  }
0x2c: {  	_ =	swait.ge [sflag:s31], $0x4000  }
0x2d: {  	[sflag:s31] =	ssyncset.done $0x0  }
0x2e: {  	s11 =	rddreg [dreg:$0x6];
	[sflag:s31] =	ssyncadd.s32 $0xFFFFC000  }
0x2f: {  	[hbm4b:s11+s3] =	stream.linear.scatter [tilespmem:s24], [sflag:$0x7], $0x4000, $0x38;
	[tilespmem:$0x1A400] =	vst v63  }
0x30: {  	s12 =	simm.s32 $0x200  }
0x31: {  	[tilespmem:s0], [sflag:$0x5] =	stream.indirect.gather [hbm4b:s2+s22], $0x80, s12, s22, $0xb8;
	[tilespmem:$0x1A400] =	vst v63  }
0x32: {  	_ =	swait.ge [sflag:s25], $0x4000  }
0x33: {  	[sflag:s25] =	ssyncset.done $0x0  }
0x34: {  	s13 =	rddreg [dreg:$0x7];
	[sflag:s25] =	ssyncadd.s32 $0xFFFFC000  }
0x35: {  	[hbm4b:s13+s3] =	stream.linear.scatter [tilespmem:s26], [sflag:$0x8], $0x4000, $0x38;
	[tilespmem:$0x1A400] =	vst v63  }
0x36: {  	_ =	swait.ge [sflag:s29], $0x4000  }
0x37: {  	[sflag:s29] =	ssyncset.done $0x0  }
0x38: {  	s14 =	simm.s32 $0x280;
	[sflag:s29] =	ssyncadd.s32 $0xFFFFC000  }
0x39: {  	[tilespmem:s23], [sflag:$0x1] =	stream.indirect.gather [hbm4b:s2+s22], $0x80, s14, s22, $0xb8;
	[tilespmem:$0x1A400] =	vst v63  }
0x3a: {  	_ =	swait.ge [sflag:s1], $0x4000  }
0x3b: {  	[sflag:s1] =	ssyncset.done $0x0  }
0x3c: {  	s15 =	rddreg [dreg:$0x8];
	[sflag:s1] =	ssyncadd.s32 $0xFFFFC000  }
0x3d: {  	[hbm4b:s15+s3] =	stream.linear.scatter [tilespmem:s30], [sflag:$0x9], $0x4000, $0x38;
	[tilespmem:$0x1A400] =	vst v63  }
0x3e: {  	_ =	swait.ge [sflag:s5], $0x4000  }
0x3f: {  	[sflag:s5] =	ssyncset.done $0x0  }
0x40: {  	s16 =	simm.s32 $0x300;
	[sflag:s5] =	ssyncadd.s32 $0xFFFFC000  }
0x41: {  	[tilespmem:s24], [sflag:$0x2] =	stream.indirect.gather [hbm4b:s2+s22], $0x80, s16, s22, $0xb8;
	[tilespmem:$0x1A400] =	vst v63  }
0x42: {  	_ =	swait.ge [sflag:s6], $0x4000  }
0x43: {  	[sflag:s6] =	ssyncset.done $0x0  }
0x44: {  	s21 =	rddreg [dreg:$0x9];
	[sflag:s6] =	ssyncadd.s32 $0xFFFFC000  }
0x45: {  	[hbm4b:s21+s3] =	stream.linear.scatter [tilespmem:s0], [sflag:$0xA], $0x4000, $0x38;
	[tilespmem:$0x1A400] =	vst v63  }
0x46: {  	_ =	swait.ge [sflag:s7], $0x4000  }
0x47: {  	[sflag:s7] =	ssyncset.done $0x0  }
0x48: {  	s11 =	simm.s32 $0x380;
	[sflag:s7] =	ssyncadd.s32 $0xFFFFC000  }
0x49: {  	[tilespmem:s26], [sflag:$0x3] =	stream.indirect.gather [hbm4b:s2+s22], $0x80, s11, s22, $0xb8;
	[tilespmem:$0x1A400] =	vst v63  }
0x4a: {  	_ =	swait.ge [sflag:s28], $0x4000  }
0x4b: {  	[sflag:s28] =	ssyncset.done $0x0  }
0x4c: {  	[sflag:s28] =	ssyncadd.s32 $0xFFFFC000  }
0x4d: {  	[hbm4b:s20+s3] =	stream.linear.scatter [tilespmem:s23], [sflag:$0x6], $0x4000, $0x38;
	[tilespmem:$0x1A400] =	vst v63  }
0x4e: {  	_ =	swait.ge [sflag:s8], $0x4000  }
0x4f: {  	[sflag:s8] =	ssyncset.done $0x0  }
0x50: {  	s12 =	simm.s32 $0x400;
	[sflag:s8] =	ssyncadd.s32 $0xFFFFC000  }
0x51: {  	[tilespmem:s30], [sflag:$0x4] =	stream.indirect.gather [hbm4b:s2+s22], $0x80, s12, s22, $0xb8;
	[tilespmem:$0x1A400] =	vst v63  }
0x52: {  	_ =	swait.ge [sflag:s31], $0x4000  }
0x53: {  	[sflag:s31] =	ssyncset.done $0x0  }
0x54: {  	[sflag:s31] =	ssyncadd.s32 $0xFFFFC000  }
0x55: {  	[hbm4b:s19+s3] =	stream.linear.scatter [tilespmem:s24], [sflag:$0x7], $0x4000, $0x38;
	[tilespmem:$0x1A400] =	vst v63  }
0x56: {  	_ =	swait.ge [sflag:s9], $0x4000  }
0x57: {  	[sflag:s9] =	ssyncset.done $0x0  }
0x58: {  	s13 =	simm.s32 $0x480;
	[sflag:s9] =	ssyncadd.s32 $0xFFFFC000  }
0x59: {  	[tilespmem:s0], [sflag:$0x5] =	stream.indirect.gather [hbm4b:s2+s22], $0x80, s13, s22, $0xb8;
	[tilespmem:$0x1A400] =	vst v63  }
0x5a: {  	_ =	swait.ge [sflag:s25], $0x4000  }
0x5b: {  	[sflag:s25] =	ssyncset.done $0x0  }
0x5c: {  	[sflag:s25] =	ssyncadd.s32 $0xFFFFC000  }
0x5d: {  	[hbm4b:s18+s3] =	stream.linear.scatter [tilespmem:s26], [sflag:$0x8], $0x4000, $0x38;
	[tilespmem:$0x1A400] =	vst v63  }
0x5e: {  	_ =	swait.ge [sflag:s29], $0x4000  }
0x5f: {  	[sflag:s29] =	ssyncset.done $0x0  }
0x60: {  	s14 =	simm.s32 $0x500;
	[sflag:s29] =	ssyncadd.s32 $0xFFFFC000  }
0x61: {  	[tilespmem:s23], [sflag:$0x1] =	stream.indirect.gather [hbm4b:s2+s22], $0x80, s14, s22, $0xb8;
	[tilespmem:$0x1A400] =	vst v63  }
0x62: {  	_ =	swait.ge [sflag:s1], $0x4000  }
0x63: {  	[sflag:s1] =	ssyncset.done $0x0  }
0x64: {  	[sflag:s1] =	ssyncadd.s32 $0xFFFFC000  }
0x65: {  	[hbm4b:s17+s3] =	stream.linear.scatter [tilespmem:s30], [sflag:$0x9], $0x4000, $0x38;
	[tilespmem:$0x1A400] =	vst v63  }
0x66: {  	_ =	swait.ge [sflag:s5], $0x4000  }
0x67: {  	[sflag:s5] =	ssyncset.done $0x0  }
0x68: {  	s15 =	simm.s32 $0x580;
	[sflag:s5] =	ssyncadd.s32 $0xFFFFC000  }
0x69: {  	[tilespmem:s24], [sflag:$0x2] =	stream.indirect.gather [hbm4b:s2+s22], $0x80, s15, s22, $0xb8;
	[tilespmem:$0x1A400] =	vst v63  }
0x6a: {  	_ =	swait.ge [sflag:s6], $0x4000  }
0x6b: {  	[sflag:s6] =	ssyncset.done $0x0  }
0x6c: {  	s21 =	simm.s32 $0x600;
	s16 =	rddreg [dreg:$0x10];
	[sflag:s6] =	ssyncadd.s32 $0xFFFFC000  }
0x6d: {  	[hbm4b:s16+s3] =	stream.linear.scatter [tilespmem:s0], [sflag:$0xA], $0x4000, $0x38;
	[tilespmem:$0x1A400] =	vst v63  }
0x6e: {  	s11 =	simm.s32 $0xA00;
	s12 =	sadd.s32 $0x2800, s19;
	_ =	swait.ge [sflag:s7], $0x4000  }
0x6f: {  	s13 =	sadd.s32 $0x2800, s20;
	s14 =	sadd.s32 $0x2800, s17;
	[sflag:s7] =	ssyncset.done $0x0  }
0x70: {  	s15 =	sadd.s32 $0x2800, s18;
	s4 =	sadd.s32 $0x2800, s16;
	[sflag:s7] =	ssyncadd.s32 $0xFFFFC000  }
.LBB2_2:
0x71: {  	[tilespmem:s26], [sflag:$0x3] =	stream.indirect.gather [hbm4b:s2+s22], $0x80, s21, s22, $0xb8;
	[tilespmem:$0x1A400] =	vst v63  }
0x72: {  	s21 =	smov.u32 s11  }
0x73: {  	p0 =	sne.s32 s11, $0x17200;
	s11 =	sadd.s32 $0xA00, s11;
	_ =	swait.ge [sflag:s28], $0x4000  }
0x74: {  	[sflag:s28] =	ssyncset.done $0x0  }
0x75: {  	[sflag:s28] =	ssyncadd.s32 $0xFFFFC000  }
0x76: {  	[hbm4b:s13+s3] =	stream.linear.scatter [tilespmem:s23], [sflag:$0x6], $0x4000, $0x38;
	[tilespmem:$0x1A400] =	vst v63  }
0x77: {  	_ =	swait.ge [sflag:s8], $0x4000  }
0x78: {  	s21 =	sshra.s32 s21, $0x2;
	[sflag:s8] =	ssyncset.done $0x0  }
0x79: {  	s16 =	sadd.s32 $0x400, s21;
	[sflag:s8] =	ssyncadd.s32 $0xFFFFC000  }
0x7a: {  	[tilespmem:s30], [sflag:$0x4] =	stream.indirect.gather [hbm4b:s2+s22], $0x80, s16, s22, $0xb8;
	[tilespmem:$0x1A400] =	vst v63  }
0x7b: {  	_ =	swait.ge [sflag:s31], $0x4000  }
0x7c: {  	[sflag:s31] =	ssyncset.done $0x0  }
0x7d: {  	[sflag:s31] =	ssyncadd.s32 $0xFFFFC000  }
0x7e: {  	[hbm4b:s12+s3] =	stream.linear.scatter [tilespmem:s24], [sflag:$0x7], $0x4000, $0x38;
	[tilespmem:$0x1A400] =	vst v63  }
0x7f: {  	_ =	swait.ge [sflag:s9], $0x4000  }
0x80: {  	[sflag:s9] =	ssyncset.done $0x0  }
0x81: {  	s16 =	sadd.s32 $0x480, s21;
	[sflag:s9] =	ssyncadd.s32 $0xFFFFC000  }
0x82: {  	[tilespmem:s0], [sflag:$0x5] =	stream.indirect.gather [hbm4b:s2+s22], $0x80, s16, s22, $0xb8;
	[tilespmem:$0x1A400] =	vst v63  }
0x83: {  	_ =	swait.ge [sflag:s25], $0x4000  }
0x84: {  	[sflag:s25] =	ssyncset.done $0x0  }
0x85: {  	[sflag:s25] =	ssyncadd.s32 $0xFFFFC000  }
0x86: {  	[hbm4b:s15+s3] =	stream.linear.scatter [tilespmem:s26], [sflag:$0x8], $0x4000, $0x38;
	[tilespmem:$0x1A400] =	vst v63  }
0x87: {  	_ =	swait.ge [sflag:s29], $0x4000  }
0x88: {  	[sflag:s29] =	ssyncset.done $0x0  }
0x89: {  	s16 =	sadd.s32 $0x500, s21;
	[sflag:s29] =	ssyncadd.s32 $0xFFFFC000  }
0x8a: {  	[tilespmem:s23], [sflag:$0x1] =	stream.indirect.gather [hbm4b:s2+s22], $0x80, s16, s22, $0xb8;
	[tilespmem:$0x1A400] =	vst v63  }
0x8b: {  	_ =	swait.ge [sflag:s1], $0x4000  }
0x8c: {  	[sflag:s1] =	ssyncset.done $0x0  }
0x8d: {  	[sflag:s1] =	ssyncadd.s32 $0xFFFFC000  }
0x8e: {  	[hbm4b:s14+s3] =	stream.linear.scatter [tilespmem:s30], [sflag:$0x9], $0x4000, $0x38;
	[tilespmem:$0x1A400] =	vst v63  }
0x8f: {  	_ =	swait.ge [sflag:s5], $0x4000  }
0x90: {  	[sflag:s5] =	ssyncset.done $0x0  }
0x91: {  	s16 =	sadd.s32 $0x580, s21;
	[sflag:s5] =	ssyncadd.s32 $0xFFFFC000  }
0x92: {  	[tilespmem:s24], [sflag:$0x2] =	stream.indirect.gather [hbm4b:s2+s22], $0x80, s16, s22, $0xb8;
	[tilespmem:$0x1A400] =	vst v63  }
0x93: {  	_ =	swait.ge [sflag:s6], $0x4000  }
0x94: {  	[sflag:s6] =	ssyncset.done $0x0  }
.Ltmp0:
0x95: {  	[sflag:s6] =	ssyncadd.s32 $0xFFFFC000;
	(pc) =	sbr.rel @p0 .LBB2_2-.Ltmp0, $4  }
0x96: {  	[hbm4b:s4+s3] =	stream.linear.scatter [tilespmem:s0], [sflag:$0xA], $0x4000, $0x38;
	[tilespmem:$0x1A400] =	vst v63  }
0x97: {  	s13 =	sadd.s32 $0x2800, s13;
	s12 =	sadd.s32 $0x2800, s12;
	_ =	swait.ge [sflag:s7], $0x4000  }
0x98: {  	s15 =	sadd.s32 $0x2800, s15;
	s14 =	sadd.s32 $0x2800, s14;
	[sflag:s7] =	ssyncset.done $0x0  }
0x99: {  	s21 =	sadd.s32 $0x600, s21;
	s4 =	sadd.s32 $0x2800, s4;
	[sflag:s7] =	ssyncadd.s32 $0xFFFFC000  }
0x9a: {  	[tilespmem:s26], [sflag:$0x3] =	stream.indirect.gather [hbm4b:s2+s22], $0x80, s21, s22, $0xb8;
	[tilespmem:$0x1A400] =	vst v63  }
0x9b: {  	_ =	swait.ge [sflag:s28], $0x4000  }
0x9c: {  	[sflag:s28] =	ssyncset.done $0x0  }
0x9d: {  	s4 =	rddreg [dreg:$0xa];
	[sflag:s28] =	ssyncadd.s32 $0xFFFFC000  }
0x9e: {  	[hbm4b:s4+s3] =	stream.linear.scatter [tilespmem:s23], [sflag:$0x6], $0x4000, $0x38;
	[tilespmem:$0x1A400] =	vst v63  }
0x9f: {  	_ =	swait.ge [sflag:s8], $0x4000  }
0xa0: {  	[sflag:s8] =	ssyncset.done $0x0  }
0xa1: {  	s11 =	simm.s32 $0x6300;
	[sflag:s8] =	ssyncadd.s32 $0xFFFFC000  }
0xa2: {  	[tilespmem:s30], [sflag:$0x4] =	stream.indirect.gather [hbm4b:s2+s22], $0x80, s11, s22, $0xb8;
	[tilespmem:$0x1A400] =	vst v63  }
0xa3: {  	_ =	swait.ge [sflag:s31], $0x4000  }
0xa4: {  	[sflag:s31] =	ssyncset.done $0x0  }
0xa5: {  	s12 =	rddreg [dreg:$0xb];
	[sflag:s31] =	ssyncadd.s32 $0xFFFFC000  }
0xa6: {  	[hbm4b:s12+s3] =	stream.linear.scatter [tilespmem:s24], [sflag:$0x7], $0x4000, $0x38;
	[tilespmem:$0x1A400] =	vst v63  }
0xa7: {  	_ =	swait.ge [sflag:s9], $0x4000  }
0xa8: {  	[sflag:s9] =	ssyncset.done $0x0  }
0xa9: {  	s13 =	simm.s32 $0x6380;
	[sflag:s9] =	ssyncadd.s32 $0xFFFFC000  }
0xaa: {  	[tilespmem:s0], [sflag:$0x5] =	stream.indirect.gather [hbm4b:s2+s22], $0x80, s13, s22, $0xb8;
	[tilespmem:$0x1A400] =	vst v63  }
0xab: {  	_ =	swait.ge [sflag:s25], $0x4000  }
0xac: {  	[sflag:s25] =	ssyncset.done $0x0  }
0xad: {  	s14 =	rddreg [dreg:$0xc];
	[sflag:s25] =	ssyncadd.s32 $0xFFFFC000  }
0xae: {  	[hbm4b:s14+s3] =	stream.linear.scatter [tilespmem:s26], [sflag:$0x8], $0x4000, $0x38;
	[tilespmem:$0x1A400] =	vst v63  }
0xaf: {  	_ =	swait.ge [sflag:s29], $0x4000  }
0xb0: {  	[sflag:s29] =	ssyncset.done $0x0  }
0xb1: {  	[sflag:s29] =	ssyncadd.s32 $0xFFFFC000  }
0xb2: {  	_ =	swait.ge [sflag:s1], $0x4000  }
0xb3: {  	[sflag:s1] =	ssyncset.done $0x0  }
0xb4: {  	s15 =	rddreg [dreg:$0xd];
	[sflag:s1] =	ssyncadd.s32 $0xFFFFC000  }
0xb5: {  	[hbm4b:s15+s3] =	stream.linear.scatter [tilespmem:s30], [sflag:$0x9], $0x4000, $0x38;
	[tilespmem:$0x1A400] =	vst v63  }
0xb6: {  	_ =	swait.ge [sflag:s5], $0x4000  }
0xb7: {  	[sflag:s5] =	ssyncset.done $0x0  }
0xb8: {  	[sflag:s5] =	ssyncadd.s32 $0xFFFFC000  }
0xb9: {  	_ =	swait.ge [sflag:s6], $0x4000  }
0xba: {  	[sflag:s6] =	ssyncset.done $0x0  }
0xbb: {  	s16 =	rddreg [dreg:$0xe];
	[sflag:s6] =	ssyncadd.s32 $0xFFFFC000  }
0xbc: {  	[hbm4b:s16+s3] =	stream.linear.scatter [tilespmem:s0], [sflag:$0xA], $0x4000, $0x38;
	[tilespmem:$0x1A400] =	vst v63  }
0xbd: {  	_ =	swait.ge [sflag:s7], $0x4000  }
0xbe: {  	[sflag:s7] =	ssyncset.done $0x0  }
0xbf: {  	[sflag:s7] =	ssyncadd.s32 $0xFFFFC000  }
0xc0: {  	_ =	swait.ge [sflag:s8], $0x4000  }
0xc1: {  	[sflag:s8] =	ssyncset.done $0x0  }
0xc2: {  	[sflag:s8] =	ssyncadd.s32 $0xFFFFC000  }
0xc3: {  	_ =	swait.ge [sflag:s9], $0x4000  }
0xc4: {  	s10 =	sadd.s32 $0x1, s10;
	s21 =	rddreg [dreg:$0xf]  }
0xc5: {  	p0 =	sne.s32 s10, s21  }
.Ltmp1:
0xc6: {  	_ = 	snop;
	(pc) =	sbr.rel @p0 .LBB2_1-.Ltmp1, $3  }
0xc7: {  	_ =	sdelay $0x1  }
0xc8: {  	[sflag:s9] =	ssyncset.done $0x0  }
0xc9: {  	[sflag:s9] =	ssyncadd.s32 $0xFFFFC000  }
0xca: {  	_ =	sfence.sel $0x180000  }
0xcb: {  	[bflag:$0x0] =	sbarrier.arrive $0xFFFF  }
0xcc: {  	_ =	strace $0x90000047  }
0xcd: {  	s0 =	stileid.u32;
	[bflag:$0x2] =	sbarrier.arrive $0xFFFF  }
0xce: {  	p0 =	sne.s32 s0, $0x0;
	s0 =	rddreg [dreg:$0x3]  }
0xcf: {  	s0 =	sadd.s32 @!p0 $0x100000, s0  }
0xd0: {  	[sflag:s0] =	ssyncadd.tile.s32 @!p0 $0x1;
	_ =	shalt  }
.Lfunc_end2:
_tile_overlayer_lowered:
.L_overlay_start_2:
0xd1: {  	(tag) =	ssettag $0x2  }
0xd2: {  	s0 =	rddreg [dreg:$0x0];
	s2 =	stileid.u32  }
0xd3: {  	s1 =	rddreg [dreg:$0x1];
	p0 =	sne.s32 s2, $0x0  }
0xd4: {  	s3 =	rddreg [dreg:$0x2];
	[bflag:$0x3] =	sbarrier.arrive $0xFFFF;
	s2 =	simm.s32 @!p0 $0x1C0B  }
0xd5: {  	[timem:s3], [sflag:s2] =	dma.local @!p0 [hbm:s0], s1  }
0xd6: {  	s0 =	simm.s32 @!p0 $0xB  }
0xd7: {  	_ =	swait.ge @!p0 [sflag:s0], s1  }
0xd8: {  	s1 =	ssub.s32 @!p0 $0x0, s1;
	[sflag:s0] =	ssyncset.done @!p0 $0x0  }
0xd9: {  	[sflag:s0] =	ssyncadd.s32 @!p0 s1  }
0xda: {  	[bflag:$0x3] =	sbarrier.arrive $0xFFFF  }
0xdb: {  	_ =	shalt  }

</sc_bundles>
